<compile_context>
chip_gen: v7x
topology: tpu7x:2x2x1
jax: 0.10.2.dev20260603
libtpu: 0.0.44.dev20260713+nightly
codegen_flags: <defaults>
</compile_context>

<pallas_src>
import functools

import jax
import jax.numpy as jnp
from jax import lax
from jax.experimental import pallas as pl
from jax.experimental.pallas import tpu as pltpu
from jax.experimental.pallas import tpu_sc as plsc

_VOCAB = 100000
_EMB = 64
_SEQ = 200
_BATCH = 4096

_NC = 2
_NS = 16
_NW = _NC * _NS
_CB = _BATCH // _NW
_H0 = 112
_H1 = _SEQ - _H0
_NVR = _EMB // 16


def _accumulate(rows, out_v, b, c):
    neg_inf = jnp.full((16,), -jnp.inf, dtype=jnp.float32)
    zero = jnp.zeros((16,), dtype=jnp.float32)
    init = tuple([neg_inf] * _NVR + [zero] * _NVR)

    def make_body(half):
        def body(r, carry):
            out = list(carry)
            for k in range(_NVR):
                v = half[r, pl.ds(16 * k, 16)]
                out[k] = jnp.maximum(out[k], v)
                out[_NVR + k] = out[_NVR + k] + v
            return tuple(out)
        return body

    acc = lax.fori_loop(0, _H0, make_body(rows[b][0]), init, unroll=8)
    acc = lax.fori_loop(0, _H1, make_body(rows[b][1]), acc, unroll=8)
    inv = jnp.float32(1.0 / _SEQ)
    for k in range(_NVR):
        out_v[c, pl.ds(16 * k, 16)] = acc[k]
        out_v[c, pl.ds(_EMB + 16 * k, 16)] = acc[_NVR + k] * inv


def _make_pool_kernel():
    mesh = plsc.VectorSubcoreMesh(core_axis_name="c", subcore_axis_name="s")

    scratch = []
    for _ in range(2):
        scratch += [pltpu.VMEM((_H0,), jnp.int32),
                    pltpu.VMEM((_H1,), jnp.int32),
                    pltpu.VMEM((_H0, _EMB), jnp.float32),
                    pltpu.VMEM((_H1, _EMB), jnp.float32)]
    scratch += [pltpu.VMEM((_CB, 2 * _EMB), jnp.float32)]
    scratch += [pltpu.SemaphoreType.DMA] * 4

    @functools.partial(
        pl.kernel,
        mesh=mesh,
        out_type=jax.ShapeDtypeStruct((_BATCH, 2 * _EMB), jnp.float32),
        scratch_types=scratch,
        compiler_params=pltpu.CompilerParams(use_tc_tiling_on_sc=False),
    )
    def pool(xt_hbm, table_hbm, out_hbm,
             ci00, ci01, r00, r01, ci10, ci11, r10, r11,
             out_v, si0, si1, sg0, sg1):
        cidx = ((ci00, ci01), (ci10, ci11))
        rows = ((r00, r01), (r10, r11))
        isems = (si0, si1)
        gsems = (sg0, sg1)
        wid = lax.axis_index("s") * _NC + lax.axis_index("c")
        base = wid * _CB

        def idx_copies(c, b):
            col = base + c
            return [
                pltpu.make_async_copy(
                    xt_hbm.at[col, pl.ds(0, _H0)], cidx[b][0], isems[b]),
                pltpu.make_async_copy(
                    xt_hbm.at[col, pl.ds(_H0, _H1)], cidx[b][1], isems[b]),
            ]

        def gather_copies(b):
            return [
                pltpu.make_async_copy(
                    table_hbm.at[cidx[b][h]], rows[b][h], gsems[b])
                for h in range(2)
            ]

        def fire_idx(c, b):
            for cp in idx_copies(c, b):
                cp.start()

        def fire_gather(b):
            for cp in idx_copies(jnp.int32(0), b):
                cp.wait()
            for cp in gather_copies(b):
                cp.start()

        fire_idx(jnp.int32(0), 0)
        fire_idx(jnp.int32(1), 1)
        fire_gather(0)

        def outer(i, carry):
            for b in range(2):
                c = i * 2 + b
                for cp in gather_copies(b):
                    cp.wait()
                nxt = c + 2

                @pl.when(nxt < _CB)
                def _():
                    fire_idx(nxt, b)

                @pl.when(c + 1 < _CB)
                def _():
                    fire_gather(1 - b)

                _accumulate(rows, out_v, b, c)
            return carry

        lax.fori_loop(0, _CB // 2, outer, jnp.int32(0))

        pltpu.sync_copy(out_v, out_hbm.at[pl.ds(base, _CB), :])

    return pool


_pool = _make_pool_kernel()


def kernel(x, table):
    xt = x.T
    return _pool(xt, table)

# --- scband reference (transcript-rebuilt; emitter-appended) ---
"""Pipeline reference for scband-pool-encoder-62998580298108 (READ-ONLY COPY).

The authoritative reference and input builder live on the scoring server;
editing this copy changes nothing except your own understanding.
"""

import jax, jax.numpy as jnp
import numpy as np

VOCAB = 100000
EMB = 64
SEQ = 200
BATCH = 4096

def setup_inputs(seed: int = 0) -> dict:
    key = jax.random.key(seed)
    k1, k2 = jax.random.split(key)
    x = jax.random.randint(k1, (SEQ, BATCH), 0, VOCAB, dtype=jnp.int64 if jax.config.jax_enable_x64 else jnp.int32).astype(jnp.int32)
    table = jax.random.normal(k2, (VOCAB, EMB), dtype=jnp.float32)
    # emulate padding_idx=0 row zeroed (as nn.Embedding with padding_idx)
    table = table.at[0].set(0.0)
    return {"x": x, "table": table}

def reference(x, table):
    # emb: [seq_len, batch, emb_dim] via gather (embedding lookup)
    emb = jnp.take(table, x, axis=0)
    # pool_type='both': adaptive max + avg pool over seq_len dim (output size 1)
    max_pool = jnp.max(emb, axis=0)   # [batch, emb_dim]
    avg_pool = jnp.mean(emb, axis=0)  # [batch, emb_dim]
    output = jnp.concatenate([max_pool, avg_pool], axis=1)  # [batch, 2*emb_dim]
    return output

if __name__ == "__main__":
    import jax
    _d = setup_inputs()
    print(jax.jit(kernel)(*tuple(_d.values())))

</pallas_src>

<mosaic_0001>
#map = affine_map<(d0, d1) -> (0, 0)>
module attributes {stable_mosaic.version = 14 : i64} {
  func.func @pool(%arg0: i32, %arg1: i32, %arg2: memref<4096x200xi32, #tpu.memory_space<hbm>>, %arg3: memref<100000x64xf32, #tpu.memory_space<hbm>>, %arg4: memref<4096x128xf32, #tpu.memory_space<hbm>>, %arg5: memref<112xi32, #tpu.memory_space<vmem>>, %arg6: memref<88xi32, #tpu.memory_space<vmem>>, %arg7: memref<112x64xf32, #tpu.memory_space<vmem>>, %arg8: memref<88x64xf32, #tpu.memory_space<vmem>>, %arg9: memref<112xi32, #tpu.memory_space<vmem>>, %arg10: memref<88xi32, #tpu.memory_space<vmem>>, %arg11: memref<112x64xf32, #tpu.memory_space<vmem>>, %arg12: memref<88x64xf32, #tpu.memory_space<vmem>>, %arg13: memref<128x128xf32, #tpu.memory_space<vmem>>, %arg14: memref<!tpu.dma_semaphore, #tpu.memory_space<semaphore_mem>>, %arg15: memref<!tpu.dma_semaphore, #tpu.memory_space<semaphore_mem>>, %arg16: memref<!tpu.dma_semaphore, #tpu.memory_space<semaphore_mem>>, %arg17: memref<!tpu.dma_semaphore, #tpu.memory_space<semaphore_mem>>) attributes {dimension_semantics = [#tpu.dimension_semantics<core_parallel>, #tpu.dimension_semantics<subcore_parallel>], iteration_bounds = array<i64: 2, 16>, scalar_prefetch = 0 : i64, scratch_operands = 13 : i64, tpu.core_type = #tpu.core_type<sc_vector_subcore>, window_params = [{transform_indices = #map}, {transform_indices = #map}, {transform_indices = #map}]} {
    %mul3A = arith.constant 2 : i32
    %mul3A_0 = arith.muli %arg1, %mul3A : i32
    %add3A = arith.addi %mul3A_0, %arg0 : i32
    %mul3A_1 = arith.constant 128 : i32
    %mul3A_2 = arith.muli %add3A, %mul3A_1 : i32
    %add3A_3 = arith.constant 0 : i32
    %add3A_4 = arith.addi %mul3A_2, %add3A_3 : i32
    %dma_start3A = arith.constant 0 : i32
    %dma_start3A_5 = tpu.memref_slice %arg2[%add3A_4, %dma_start3A] : memref<4096x200xi32, #tpu.memory_space<hbm>> -> memref<1x112xi32, #tpu.memory_space<hbm>>
    %dma_start3A_6 = tpu.memref_squeeze %dma_start3A_5 : memref<1x112xi32, #tpu.memory_space<hbm>> -> memref<112xi32, #tpu.memory_space<hbm>>
    %dma_start3A_7 = arith.constant 0 : i32
    %dma_start3A_8 = tpu.memref_slice %arg2[%add3A_4, %dma_start3A_7] : memref<4096x200xi32, #tpu.memory_space<hbm>> -> memref<1x112xi32, #tpu.memory_space<hbm>>
    %dma_start3A_9 = tpu.memref_squeeze %dma_start3A_8 : memref<1x112xi32, #tpu.memory_space<hbm>> -> memref<112xi32, #tpu.memory_space<hbm>>
    tpu.enqueue_dma source(%dma_start3A_9 : memref<112xi32, #tpu.memory_space<hbm>>) target(%arg5 : memref<112xi32, #tpu.memory_space<vmem>>) target_semaphore(%arg14 : memref<!tpu.dma_semaphore, #tpu.memory_space<semaphore_mem>>)
    %dma_start3A_10 = arith.constant 112 : i32
    %dma_start3A_11 = tpu.memref_slice %arg2[%add3A_4, %dma_start3A_10] : memref<4096x200xi32, #tpu.memory_space<hbm>> -> memref<1x88xi32, #tpu.memory_space<hbm>>
    %dma_start3A_12 = tpu.memref_squeeze %dma_start3A_11 : memref<1x88xi32, #tpu.memory_space<hbm>> -> memref<88xi32, #tpu.memory_space<hbm>>
    %dma_start3A_13 = arith.constant 112 : i32
    %dma_start3A_14 = tpu.memref_slice %arg2[%add3A_4, %dma_start3A_13] : memref<4096x200xi32, #tpu.memory_space<hbm>> -> memref<1x88xi32, #tpu.memory_space<hbm>>
    %dma_start3A_15 = tpu.memref_squeeze %dma_start3A_14 : memref<1x88xi32, #tpu.memory_space<hbm>> -> memref<88xi32, #tpu.memory_space<hbm>>
    tpu.enqueue_dma source(%dma_start3A_15 : memref<88xi32, #tpu.memory_space<hbm>>) target(%arg6 : memref<88xi32, #tpu.memory_space<vmem>>) target_semaphore(%arg14 : memref<!tpu.dma_semaphore, #tpu.memory_space<semaphore_mem>>)
    %add3A_16 = arith.constant 1 : i32
    %add3A_17 = arith.addi %mul3A_2, %add3A_16 : i32
    %dma_start3A_18 = arith.constant 0 : i32
    %dma_start3A_19 = tpu.memref_slice %arg2[%add3A_17, %dma_start3A_18] : memref<4096x200xi32, #tpu.memory_space<hbm>> -> memref<1x112xi32, #tpu.memory_space<hbm>>
    %dma_start3A_20 = tpu.memref_squeeze %dma_start3A_19 : memref<1x112xi32, #tpu.memory_space<hbm>> -> memref<112xi32, #tpu.memory_space<hbm>>
    %dma_start3A_21 = arith.constant 0 : i32
    %dma_start3A_22 = tpu.memref_slice %arg2[%add3A_17, %dma_start3A_21] : memref<4096x200xi32, #tpu.memory_space<hbm>> -> memref<1x112xi32, #tpu.memory_space<hbm>>
    %dma_start3A_23 = tpu.memref_squeeze %dma_start3A_22 : memref<1x112xi32, #tpu.memory_space<hbm>> -> memref<112xi32, #tpu.memory_space<hbm>>
    tpu.enqueue_dma source(%dma_start3A_23 : memref<112xi32, #tpu.memory_space<hbm>>) target(%arg9 : memref<112xi32, #tpu.memory_space<vmem>>) target_semaphore(%arg15 : memref<!tpu.dma_semaphore, #tpu.memory_space<semaphore_mem>>)
    %dma_start3A_24 = arith.constant 112 : i32
    %dma_start3A_25 = tpu.memref_slice %arg2[%add3A_17, %dma_start3A_24] : memref<4096x200xi32, #tpu.memory_space<hbm>> -> memref<1x88xi32, #tpu.memory_space<hbm>>
    %dma_start3A_26 = tpu.memref_squeeze %dma_start3A_25 : memref<1x88xi32, #tpu.memory_space<hbm>> -> memref<88xi32, #tpu.memory_space<hbm>>
    %dma_start3A_27 = arith.constant 112 : i32
    %dma_start3A_28 = tpu.memref_slice %arg2[%add3A_17, %dma_start3A_27] : memref<4096x200xi32, #tpu.memory_space<hbm>> -> memref<1x88xi32, #tpu.memory_space<hbm>>
    %dma_start3A_29 = tpu.memref_squeeze %dma_start3A_28 : memref<1x88xi32, #tpu.memory_space<hbm>> -> memref<88xi32, #tpu.memory_space<hbm>>
    tpu.enqueue_dma source(%dma_start3A_29 : memref<88xi32, #tpu.memory_space<hbm>>) target(%arg10 : memref<88xi32, #tpu.memory_space<vmem>>) target_semaphore(%arg15 : memref<!tpu.dma_semaphore, #tpu.memory_space<semaphore_mem>>)
    %add3A_30 = arith.constant 0 : i32
    %add3A_31 = arith.addi %mul3A_2, %add3A_30 : i32
    %dma_wait3A = arith.constant 0 : i32
    %dma_wait3A_32 = tpu.memref_slice %arg2[%add3A_31, %dma_wait3A] : memref<4096x200xi32, #tpu.memory_space<hbm>> -> memref<1x112xi32, #tpu.memory_space<hbm>>
    %dma_wait3A_33 = tpu.memref_squeeze %dma_wait3A_32 : memref<1x112xi32, #tpu.memory_space<hbm>> -> memref<112xi32, #tpu.memory_space<hbm>>
    %dma_wait3A_34 = arith.constant 0 : i32
    %dma_wait3A_35 = tpu.memref_slice %arg2[%add3A_31, %dma_wait3A_34] : memref<4096x200xi32, #tpu.memory_space<hbm>> -> memref<1x112xi32, #tpu.memory_space<hbm>>
    %dma_wait3A_36 = tpu.memref_squeeze %dma_wait3A_35 : memref<1x112xi32, #tpu.memory_space<hbm>> -> memref<112xi32, #tpu.memory_space<hbm>>
    tpu.wait_dma2 semaphore(%arg14 : memref<!tpu.dma_semaphore, #tpu.memory_space<semaphore_mem>>) src(%dma_wait3A_36 : memref<112xi32, #tpu.memory_space<hbm>>) dst(%arg5 : memref<112xi32, #tpu.memory_space<vmem>>)
    %dma_wait3A_37 = arith.constant 112 : i32
    %dma_wait3A_38 = tpu.memref_slice %arg2[%add3A_31, %dma_wait3A_37] : memref<4096x200xi32, #tpu.memory_space<hbm>> -> memref<1x88xi32, #tpu.memory_space<hbm>>
    %dma_wait3A_39 = tpu.memref_squeeze %dma_wait3A_38 : memref<1x88xi32, #tpu.memory_space<hbm>> -> memref<88xi32, #tpu.memory_space<hbm>>
    %dma_wait3A_40 = arith.constant 112 : i32
    %dma_wait3A_41 = tpu.memref_slice %arg2[%add3A_31, %dma_wait3A_40] : memref<4096x200xi32, #tpu.memory_space<hbm>> -> memref<1x88xi32, #tpu.memory_space<hbm>>
    %dma_wait3A_42 = tpu.memref_squeeze %dma_wait3A_41 : memref<1x88xi32, #tpu.memory_space<hbm>> -> memref<88xi32, #tpu.memory_space<hbm>>
    tpu.wait_dma2 semaphore(%arg14 : memref<!tpu.dma_semaphore, #tpu.memory_space<semaphore_mem>>) src(%dma_wait3A_42 : memref<88xi32, #tpu.memory_space<hbm>>) dst(%arg6 : memref<88xi32, #tpu.memory_space<vmem>>)
    %dma_start3A_43 = arith.constant 0 : i32
    %dma_start3A_44 = arith.constant 0 : i32
    %dma_start3A_45 = tpu.memref_slice %arg3[%dma_start3A_43, %dma_start3A_44] : memref<100000x64xf32, #tpu.memory_space<hbm>> -> memref<100000x64xf32, #tpu.memory_space<hbm>>
    tpu.enqueue_indirect_dma source(%dma_start3A_45 : memref<100000x64xf32, #tpu.memory_space<hbm>>) target(%arg7 : memref<112x64xf32, #tpu.memory_space<vmem>>) offsets(%arg5 : memref<112xi32, #tpu.memory_space<vmem>>) semaphore(%arg16 : memref<!tpu.dma_semaphore, #tpu.memory_space<semaphore_mem>>)
    %dma_start3A_46 = arith.constant 0 : i32
    %dma_start3A_47 = arith.constant 0 : i32
    %dma_start3A_48 = tpu.memref_slice %arg3[%dma_start3A_46, %dma_start3A_47] : memref<100000x64xf32, #tpu.memory_space<hbm>> -> memref<100000x64xf32, #tpu.memory_space<hbm>>
    tpu.enqueue_indirect_dma source(%dma_start3A_48 : memref<100000x64xf32, #tpu.memory_space<hbm>>) target(%arg8 : memref<88x64xf32, #tpu.memory_space<vmem>>) offsets(%arg6 : memref<88xi32, #tpu.memory_space<vmem>>) semaphore(%arg16 : memref<!tpu.dma_semaphore, #tpu.memory_space<semaphore_mem>>)
    %scan3A = arith.constant 0 : i32
    %scan3A_49 = arith.constant 0 : i32
    %scan3A_50 = arith.constant 64 : i32
    %scan3A_51 = arith.addi %scan3A_49, %scan3A_50 : i32
    %scan3A_52 = arith.constant 1 : i32
    scf.for %scan3A_54 = %scan3A_49 to %scan3A_51 step %scan3A_52  : i32 {
      %mul3A_55 = arith.constant 2 : i32
      %mul3A_56 = arith.muli %scan3A_54, %mul3A_55 : i32
      %add3A_57 = arith.constant 0 : i32
      %add3A_58 = arith.addi %mul3A_56, %add3A_57 : i32
      %dma_wait3A_59 = arith.constant 0 : i32
      %dma_wait3A_60 = arith.constant 0 : i32
      %dma_wait3A_61 = tpu.memref_slice %arg3[%dma_wait3A_59, %dma_wait3A_60] : memref<100000x64xf32, #tpu.memory_space<hbm>> -> memref<100000x64xf32, #tpu.memory_space<hbm>>
      tpu.wait_indirect_dma semaphore(%arg16 : memref<!tpu.dma_semaphore, #tpu.memory_space<semaphore_mem>>) src(%dma_wait3A_61 : memref<100000x64xf32, #tpu.memory_space<hbm>>) dst(%arg7 : memref<112x64xf32, #tpu.memory_space<vmem>>)
      %dma_wait3A_62 = arith.constant 0 : i32
      %dma_wait3A_63 = arith.constant 0 : i32
      %dma_wait3A_64 = tpu.memref_slice %arg3[%dma_wait3A_62, %dma_wait3A_63] : memref<100000x64xf32, #tpu.memory_space<hbm>> -> memref<100000x64xf32, #tpu.memory_space<hbm>>
      tpu.wait_indirect_dma semaphore(%arg16 : memref<!tpu.dma_semaphore, #tpu.memory_space<semaphore_mem>>) src(%dma_wait3A_64 : memref<100000x64xf32, #tpu.memory_space<hbm>>) dst(%arg8 : memref<88x64xf32, #tpu.memory_space<vmem>>)
      %add3A_65 = arith.constant 2 : i32
      %add3A_66 = arith.addi %add3A_58, %add3A_65 : i32
      %lt3A = arith.constant 128 : i32
      %lt3A_67 = arith.cmpi slt, %add3A_66, %lt3A : i32
      %convert_element_type3A = arith.extui %lt3A_67 : i1 to i32
      %cond3A = arith.constant 0 : i32
      %cond3A_68 = arith.cmpi ne, %convert_element_type3A, %cond3A : i32
      scf.if %cond3A_68 {
        %add3A_234 = arith.addi %mul3A_2, %add3A_66 : i32
        %dma_start3A_235 = arith.constant 0 : i32
        %dma_start3A_236 = tpu.memref_slice %arg2[%add3A_234, %dma_start3A_235] : memref<4096x200xi32, #tpu.memory_space<hbm>> -> memref<1x112xi32, #tpu.memory_space<hbm>>
        %dma_start3A_237 = tpu.memref_squeeze %dma_start3A_236 : memref<1x112xi32, #tpu.memory_space<hbm>> -> memref<112xi32, #tpu.memory_space<hbm>>
        %dma_start3A_238 = arith.constant 0 : i32
        %dma_start3A_239 = tpu.memref_slice %arg2[%add3A_234, %dma_start3A_238] : memref<4096x200xi32, #tpu.memory_space<hbm>> -> memref<1x112xi32, #tpu.memory_space<hbm>>
        %dma_start3A_240 = tpu.memref_squeeze %dma_start3A_239 : memref<1x112xi32, #tpu.memory_space<hbm>> -> memref<112xi32, #tpu.memory_space<hbm>>
        tpu.enqueue_dma source(%dma_start3A_240 : memref<112xi32, #tpu.memory_space<hbm>>) target(%arg5 : memref<112xi32, #tpu.memory_space<vmem>>) target_semaphore(%arg14 : memref<!tpu.dma_semaphore, #tpu.memory_space<semaphore_mem>>)
        %dma_start3A_241 = arith.constant 112 : i32
        %dma_start3A_242 = tpu.memref_slice %arg2[%add3A_234, %dma_start3A_241] : memref<4096x200xi32, #tpu.memory_space<hbm>> -> memref<1x88xi32, #tpu.memory_space<hbm>>
        %dma_start3A_243 = tpu.memref_squeeze %dma_start3A_242 : memref<1x88xi32, #tpu.memory_space<hbm>> -> memref<88xi32, #tpu.memory_space<hbm>>
        %dma_start3A_244 = arith.constant 112 : i32
        %dma_start3A_245 = tpu.memref_slice %arg2[%add3A_234, %dma_start3A_244] : memref<4096x200xi32, #tpu.memory_space<hbm>> -> memref<1x88xi32, #tpu.memory_space<hbm>>
        %dma_start3A_246 = tpu.memref_squeeze %dma_start3A_245 : memref<1x88xi32, #tpu.memory_space<hbm>> -> memref<88xi32, #tpu.memory_space<hbm>>
        tpu.enqueue_dma source(%dma_start3A_246 : memref<88xi32, #tpu.memory_space<hbm>>) target(%arg6 : memref<88xi32, #tpu.memory_space<vmem>>) target_semaphore(%arg14 : memref<!tpu.dma_semaphore, #tpu.memory_space<semaphore_mem>>)
      } else {
      }
      %add3A_69 = arith.constant 1 : i32
      %add3A_70 = arith.addi %add3A_58, %add3A_69 : i32
      %lt3A_71 = arith.constant 128 : i32
      %lt3A_72 = arith.cmpi slt, %add3A_70, %lt3A_71 : i32
      %convert_element_type3A_73 = arith.extui %lt3A_72 : i1 to i32
      %cond3A_74 = arith.constant 0 : i32
      %cond3A_75 = arith.cmpi ne, %convert_element_type3A_73, %cond3A_74 : i32
      scf.if %cond3A_75 {
        %add3A_234 = arith.constant 0 : i32
        %add3A_235 = arith.addi %mul3A_2, %add3A_234 : i32
        %dma_wait3A_236 = arith.constant 0 : i32
        %dma_wait3A_237 = tpu.memref_slice %arg2[%add3A_235, %dma_wait3A_236] : memref<4096x200xi32, #tpu.memory_space<hbm>> -> memref<1x112xi32, #tpu.memory_space<hbm>>
        %dma_wait3A_238 = tpu.memref_squeeze %dma_wait3A_237 : memref<1x112xi32, #tpu.memory_space<hbm>> -> memref<112xi32, #tpu.memory_space<hbm>>
        %dma_wait3A_239 = arith.constant 0 : i32
        %dma_wait3A_240 = tpu.memref_slice %arg2[%add3A_235, %dma_wait3A_239] : memref<4096x200xi32, #tpu.memory_space<hbm>> -> memref<1x112xi32, #tpu.memory_space<hbm>>
        %dma_wait3A_241 = tpu.memref_squeeze %dma_wait3A_240 : memref<1x112xi32, #tpu.memory_space<hbm>> -> memref<112xi32, #tpu.memory_space<hbm>>
        tpu.wait_dma2 semaphore(%arg15 : memref<!tpu.dma_semaphore, #tpu.memory_space<semaphore_mem>>) src(%dma_wait3A_241 : memref<112xi32, #tpu.memory_space<hbm>>) dst(%arg9 : memref<112xi32, #tpu.memory_space<vmem>>)
        %dma_wait3A_242 = arith.constant 112 : i32
        %dma_wait3A_243 = tpu.memref_slice %arg2[%add3A_235, %dma_wait3A_242] : memref<4096x200xi32, #tpu.memory_space<hbm>> -> memref<1x88xi32, #tpu.memory_space<hbm>>
        %dma_wait3A_244 = tpu.memref_squeeze %dma_wait3A_243 : memref<1x88xi32, #tpu.memory_space<hbm>> -> memref<88xi32, #tpu.memory_space<hbm>>
        %dma_wait3A_245 = arith.constant 112 : i32
        %dma_wait3A_246 = tpu.memref_slice %arg2[%add3A_235, %dma_wait3A_245] : memref<4096x200xi32, #tpu.memory_space<hbm>> -> memref<1x88xi32, #tpu.memory_space<hbm>>
        %dma_wait3A_247 = tpu.memref_squeeze %dma_wait3A_246 : memref<1x88xi32, #tpu.memory_space<hbm>> -> memref<88xi32, #tpu.memory_space<hbm>>
        tpu.wait_dma2 semaphore(%arg15 : memref<!tpu.dma_semaphore, #tpu.memory_space<semaphore_mem>>) src(%dma_wait3A_247 : memref<88xi32, #tpu.memory_space<hbm>>) dst(%arg10 : memref<88xi32, #tpu.memory_space<vmem>>)
        %dma_start3A_248 = arith.constant 0 : i32
        %dma_start3A_249 = arith.constant 0 : i32
        %dma_start3A_250 = tpu.memref_slice %arg3[%dma_start3A_248, %dma_start3A_249] : memref<100000x64xf32, #tpu.memory_space<hbm>> -> memref<100000x64xf32, #tpu.memory_space<hbm>>
        tpu.enqueue_indirect_dma source(%dma_start3A_250 : memref<100000x64xf32, #tpu.memory_space<hbm>>) target(%arg11 : memref<112x64xf32, #tpu.memory_space<vmem>>) offsets(%arg9 : memref<112xi32, #tpu.memory_space<vmem>>) semaphore(%arg17 : memref<!tpu.dma_semaphore, #tpu.memory_space<semaphore_mem>>)
        %dma_start3A_251 = arith.constant 0 : i32
        %dma_start3A_252 = arith.constant 0 : i32
        %dma_start3A_253 = tpu.memref_slice %arg3[%dma_start3A_251, %dma_start3A_252] : memref<100000x64xf32, #tpu.memory_space<hbm>> -> memref<100000x64xf32, #tpu.memory_space<hbm>>
        tpu.enqueue_indirect_dma source(%dma_start3A_253 : memref<100000x64xf32, #tpu.memory_space<hbm>>) target(%arg12 : memref<88x64xf32, #tpu.memory_space<vmem>>) offsets(%arg10 : memref<88xi32, #tpu.memory_space<vmem>>) semaphore(%arg17 : memref<!tpu.dma_semaphore, #tpu.memory_space<semaphore_mem>>)
      } else {
      }
      %broadcast_in_dim3A = arith.constant 0xFF800000 : f32
      %broadcast_in_dim3A_76 = vector.broadcast %broadcast_in_dim3A : f32 to vector<16xf32>
      %broadcast_in_dim3A_77 = arith.constant 0.000000e+00 : f32
      %broadcast_in_dim3A_78 = vector.broadcast %broadcast_in_dim3A_77 : f32 to vector<16xf32>
      %scan3A_79 = arith.constant 0 : i32
      %scan3A_80 = arith.constant 112 : i32
      %scan3A_81 = arith.addi %scan3A_79, %scan3A_80 : i32
      %scan3A_82 = arith.constant 8 : i32
      %scan3A_83:8 = scf.for %scan3A_234 = %scan3A_79 to %scan3A_81 step %scan3A_82 iter_args(%scan3A_235 = %broadcast_in_dim3A_76, %scan3A_236 = %broadcast_in_dim3A_76, %scan3A_237 = %broadcast_in_dim3A_76, %scan3A_238 = %broadcast_in_dim3A_76, %scan3A_239 = %broadcast_in_dim3A_78, %scan3A_240 = %broadcast_in_dim3A_78, %scan3A_241 = %broadcast_in_dim3A_78, %scan3A_242 = %broadcast_in_dim3A_78) -> (vector<16xf32>, vector<16xf32>, vector<16xf32>, vector<16xf32>, vector<16xf32>, vector<16xf32>, vector<16xf32>, vector<16xf32>)  : i32 {
        %get3A = arith.index_cast %scan3A_234 : i32 to index
        %get3A_243 = arith.constant 0 : index
        %get3A_244 = tpu.vector_load %arg7[%get3A, %get3A_243] {strides = array<i32>} : memref<112x64xf32, #tpu.memory_space<vmem>>, vector<1x16xf32>,
        %get3A_245 = vector.shape_cast %get3A_244 : vector<1x16xf32> to vector<16xf32>
        %max3A = arith.maximumf %scan3A_235, %get3A_245 : vector<16xf32>
        %add3A_246 = arith.addf %scan3A_239, %get3A_245 : vector<16xf32>
        %get3A_247 = arith.index_cast %scan3A_234 : i32 to index
        %get3A_248 = arith.constant 16 : index
        %get3A_249 = tpu.vector_load %arg7[%get3A_247, %get3A_248] {strides = array<i32>} : memref<112x64xf32, #tpu.memory_space<vmem>>, vector<1x16xf32>,
        %get3A_250 = vector.shape_cast %get3A_249 : vector<1x16xf32> to vector<16xf32>
        %max3A_251 = arith.maximumf %scan3A_236, %get3A_250 : vector<16xf32>
        %add3A_252 = arith.addf %scan3A_240, %get3A_250 : vector<16xf32>
        %get3A_253 = arith.index_cast %scan3A_234 : i32 to index
        %get3A_254 = arith.constant 32 : index
        %get3A_255 = tpu.vector_load %arg7[%get3A_253, %get3A_254] {strides = array<i32>} : memref<112x64xf32, #tpu.memory_space<vmem>>, vector<1x16xf32>,
        %get3A_256 = vector.shape_cast %get3A_255 : vector<1x16xf32> to vector<16xf32>
        %max3A_257 = arith.maximumf %scan3A_237, %get3A_256 : vector<16xf32>
        %add3A_258 = arith.addf %scan3A_241, %get3A_256 : vector<16xf32>
        %get3A_259 = arith.index_cast %scan3A_234 : i32 to index
        %get3A_260 = arith.constant 48 : index
        %get3A_261 = tpu.vector_load %arg7[%get3A_259, %get3A_260] {strides = array<i32>} : memref<112x64xf32, #tpu.memory_space<vmem>>, vector<1x16xf32>,
        %get3A_262 = vector.shape_cast %get3A_261 : vector<1x16xf32> to vector<16xf32>
        %max3A_263 = arith.maximumf %scan3A_238, %get3A_262 : vector<16xf32>
        %add3A_264 = arith.addf %scan3A_242, %get3A_262 : vector<16xf32>
        %scan3A_265 = arith.constant 1 : i32
        %scan3A_266 = arith.addi %scan3A_234, %scan3A_265 : i32
        %get3A_267 = arith.index_cast %scan3A_266 : i32 to index
        %get3A_268 = arith.constant 0 : index
        %get3A_269 = tpu.vector_load %arg7[%get3A_267, %get3A_268] {strides = array<i32>} : memref<112x64xf32, #tpu.memory_space<vmem>>, vector<1x16xf32>,
        %get3A_270 = vector.shape_cast %get3A_269 : vector<1x16xf32> to vector<16xf32>
        %max3A_271 = arith.maximumf %max3A, %get3A_270 : vector<16xf32>
        %add3A_272 = arith.addf %add3A_246, %get3A_270 : vector<16xf32>
        %get3A_273 = arith.index_cast %scan3A_266 : i32 to index
        %get3A_274 = arith.constant 16 : index
        %get3A_275 = tpu.vector_load %arg7[%get3A_273, %get3A_274] {strides = array<i32>} : memref<112x64xf32, #tpu.memory_space<vmem>>, vector<1x16xf32>,
        %get3A_276 = vector.shape_cast %get3A_275 : vector<1x16xf32> to vector<16xf32>
        %max3A_277 = arith.maximumf %max3A_251, %get3A_276 : vector<16xf32>
        %add3A_278 = arith.addf %add3A_252, %get3A_276 : vector<16xf32>
        %get3A_279 = arith.index_cast %scan3A_266 : i32 to index
        %get3A_280 = arith.constant 32 : index
        %get3A_281 = tpu.vector_load %arg7[%get3A_279, %get3A_280] {strides = array<i32>} : memref<112x64xf32, #tpu.memory_space<vmem>>, vector<1x16xf32>,
        %get3A_282 = vector.shape_cast %get3A_281 : vector<1x16xf32> to vector<16xf32>
        %max3A_283 = arith.maximumf %max3A_257, %get3A_282 : vector<16xf32>
        %add3A_284 = arith.addf %add3A_258, %get3A_282 : vector<16xf32>
        %get3A_285 = arith.index_cast %scan3A_266 : i32 to index
        %get3A_286 = arith.constant 48 : index
        %get3A_287 = tpu.vector_load %arg7[%get3A_285, %get3A_286] {strides = array<i32>} : memref<112x64xf32, #tpu.memory_space<vmem>>, vector<1x16xf32>,
        %get3A_288 = vector.shape_cast %get3A_287 : vector<1x16xf32> to vector<16xf32>
        %max3A_289 = arith.maximumf %max3A_263, %get3A_288 : vector<16xf32>
        %add3A_290 = arith.addf %add3A_264, %get3A_288 : vector<16xf32>
        %scan3A_291 = arith.constant 2 : i32
        %scan3A_292 = arith.addi %scan3A_234, %scan3A_291 : i32
        %get3A_293 = arith.index_cast %scan3A_292 : i32 to index
        %get3A_294 = arith.constant 0 : index
        %get3A_295 = tpu.vector_load %arg7[%get3A_293, %get3A_294] {strides = array<i32>} : memref<112x64xf32, #tpu.memory_space<vmem>>, vector<1x16xf32>,
        %get3A_296 = vector.shape_cast %get3A_295 : vector<1x16xf32> to vector<16xf32>
        %max3A_297 = arith.maximumf %max3A_271, %get3A_296 : vector<16xf32>
        %add3A_298 = arith.addf %add3A_272, %get3A_296 : vector<16xf32>
        %get3A_299 = arith.index_cast %scan3A_292 : i32 to index
        %get3A_300 = arith.constant 16 : index
        %get3A_301 = tpu.vector_load %arg7[%get3A_299, %get3A_300] {strides = array<i32>} : memref<112x64xf32, #tpu.memory_space<vmem>>, vector<1x16xf32>,
        %get3A_302 = vector.shape_cast %get3A_301 : vector<1x16xf32> to vector<16xf32>
        %max3A_303 = arith.maximumf %max3A_277, %get3A_302 : vector<16xf32>
        %add3A_304 = arith.addf %add3A_278, %get3A_302 : vector<16xf32>
        %get3A_305 = arith.index_cast %scan3A_292 : i32 to index
        %get3A_306 = arith.constant 32 : index
        %get3A_307 = tpu.vector_load %arg7[%get3A_305, %get3A_306] {strides = array<i32>} : memref<112x64xf32, #tpu.memory_space<vmem>>, vector<1x16xf32>,
        %get3A_308 = vector.shape_cast %get3A_307 : vector<1x16xf32> to vector<16xf32>
        %max3A_309 = arith.maximumf %max3A_283, %get3A_308 : vector<16xf32>
        %add3A_310 = arith.addf %add3A_284, %get3A_308 : vector<16xf32>
        %get3A_311 = arith.index_cast %scan3A_292 : i32 to index
        %get3A_312 = arith.constant 48 : index
        %get3A_313 = tpu.vector_load %arg7[%get3A_311, %get3A_312] {strides = array<i32>} : memref<112x64xf32, #tpu.memory_space<vmem>>, vector<1x16xf32>,
        %get3A_314 = vector.shape_cast %get3A_313 : vector<1x16xf32> to vector<16xf32>
        %max3A_315 = arith.maximumf %max3A_289, %get3A_314 : vector<16xf32>
        %add3A_316 = arith.addf %add3A_290, %get3A_314 : vector<16xf32>
        %scan3A_317 = arith.constant 3 : i32
        %scan3A_318 = arith.addi %scan3A_234, %scan3A_317 : i32
        %get3A_319 = arith.index_cast %scan3A_318 : i32 to index
        %get3A_320 = arith.constant 0 : index
        %get3A_321 = tpu.vector_load %arg7[%get3A_319, %get3A_320] {strides = array<i32>} : memref<112x64xf32, #tpu.memory_space<vmem>>, vector<1x16xf32>,
        %get3A_322 = vector.shape_cast %get3A_321 : vector<1x16xf32> to vector<16xf32>
        %max3A_323 = arith.maximumf %max3A_297, %get3A_322 : vector<16xf32>
        %add3A_324 = arith.addf %add3A_298, %get3A_322 : vector<16xf32>
        %get3A_325 = arith.index_cast %scan3A_318 : i32 to index
        %get3A_326 = arith.constant 16 : index
        %get3A_327 = tpu.vector_load %arg7[%get3A_325, %get3A_326] {strides = array<i32>} : memref<112x64xf32, #tpu.memory_space<vmem>>, vector<1x16xf32>,
        %get3A_328 = vector.shape_cast %get3A_327 : vector<1x16xf32> to vector<16xf32>
        %max3A_329 = arith.maximumf %max3A_303, %get3A_328 : vector<16xf32>
        %add3A_330 = arith.addf %add3A_304, %get3A_328 : vector<16xf32>
        %get3A_331 = arith.index_cast %scan3A_318 : i32 to index
        %get3A_332 = arith.constant 32 : index
        %get3A_333 = tpu.vector_load %arg7[%get3A_331, %get3A_332] {strides = array<i32>} : memref<112x64xf32, #tpu.memory_space<vmem>>, vector<1x16xf32>,
        %get3A_334 = vector.shape_cast %get3A_333 : vector<1x16xf32> to vector<16xf32>
        %max3A_335 = arith.maximumf %max3A_309, %get3A_334 : vector<16xf32>
        %add3A_336 = arith.addf %add3A_310, %get3A_334 : vector<16xf32>
        %get3A_337 = arith.index_cast %scan3A_318 : i32 to index
        %get3A_338 = arith.constant 48 : index
        %get3A_339 = tpu.vector_load %arg7[%get3A_337, %get3A_338] {strides = array<i32>} : memref<112x64xf32, #tpu.memory_space<vmem>>, vector<1x16xf32>,
        %get3A_340 = vector.shape_cast %get3A_339 : vector<1x16xf32> to vector<16xf32>
        %max3A_341 = arith.maximumf %max3A_315, %get3A_340 : vector<16xf32>
        %add3A_342 = arith.addf %add3A_316, %get3A_340 : vector<16xf32>
        %scan3A_343 = arith.constant 4 : i32
        %scan3A_344 = arith.addi %scan3A_234, %scan3A_343 : i32
        %get3A_345 = arith.index_cast %scan3A_344 : i32 to index
        %get3A_346 = arith.constant 0 : index
        %get3A_347 = tpu.vector_load %arg7[%get3A_345, %get3A_346] {strides = array<i32>} : memref<112x64xf32, #tpu.memory_space<vmem>>, vector<1x16xf32>,
        %get3A_348 = vector.shape_cast %get3A_347 : vector<1x16xf32> to vector<16xf32>
        %max3A_349 = arith.maximumf %max3A_323, %get3A_348 : vector<16xf32>
        %add3A_350 = arith.addf %add3A_324, %get3A_348 : vector<16xf32>
        %get3A_351 = arith.index_cast %scan3A_344 : i32 to index
        %get3A_352 = arith.constant 16 : index
        %get3A_353 = tpu.vector_load %arg7[%get3A_351, %get3A_352] {strides = array<i32>} : memref<112x64xf32, #tpu.memory_space<vmem>>, vector<1x16xf32>,
        %get3A_354 = vector.shape_cast %get3A_353 : vector<1x16xf32> to vector<16xf32>
        %max3A_355 = arith.maximumf %max3A_329, %get3A_354 : vector<16xf32>
        %add3A_356 = arith.addf %add3A_330, %get3A_354 : vector<16xf32>
        %get3A_357 = arith.index_cast %scan3A_344 : i32 to index
        %get3A_358 = arith.constant 32 : index
        %get3A_359 = tpu.vector_load %arg7[%get3A_357, %get3A_358] {strides = array<i32>} : memref<112x64xf32, #tpu.memory_space<vmem>>, vector<1x16xf32>,
        %get3A_360 = vector.shape_cast %get3A_359 : vector<1x16xf32> to vector<16xf32>
        %max3A_361 = arith.maximumf %max3A_335, %get3A_360 : vector<16xf32>
        %add3A_362 = arith.addf %add3A_336, %get3A_360 : vector<16xf32>
        %get3A_363 = arith.index_cast %scan3A_344 : i32 to index
        %get3A_364 = arith.constant 48 : index
        %get3A_365 = tpu.vector_load %arg7[%get3A_363, %get3A_364] {strides = array<i32>} : memref<112x64xf32, #tpu.memory_space<vmem>>, vector<1x16xf32>,
        %get3A_366 = vector.shape_cast %get3A_365 : vector<1x16xf32> to vector<16xf32>
        %max3A_367 = arith.maximumf %max3A_341, %get3A_366 : vector<16xf32>
        %add3A_368 = arith.addf %add3A_342, %get3A_366 : vector<16xf32>
        %scan3A_369 = arith.constant 5 : i32
        %scan3A_370 = arith.addi %scan3A_234, %scan3A_369 : i32
        %get3A_371 = arith.index_cast %scan3A_370 : i32 to index
        %get3A_372 = arith.constant 0 : index
        %get3A_373 = tpu.vector_load %arg7[%get3A_371, %get3A_372] {strides = array<i32>} : memref<112x64xf32, #tpu.memory_space<vmem>>, vector<1x16xf32>,
        %get3A_374 = vector.shape_cast %get3A_373 : vector<1x16xf32> to vector<16xf32>
        %max3A_375 = arith.maximumf %max3A_349, %get3A_374 : vector<16xf32>
        %add3A_376 = arith.addf %add3A_350, %get3A_374 : vector<16xf32>
        %get3A_377 = arith.index_cast %scan3A_370 : i32 to index
        %get3A_378 = arith.constant 16 : index
        %get3A_379 = tpu.vector_load %arg7[%get3A_377, %get3A_378] {strides = array<i32>} : memref<112x64xf32, #tpu.memory_space<vmem>>, vector<1x16xf32>,
        %get3A_380 = vector.shape_cast %get3A_379 : vector<1x16xf32> to vector<16xf32>
        %max3A_381 = arith.maximumf %max3A_355, %get3A_380 : vector<16xf32>
        %add3A_382 = arith.addf %add3A_356, %get3A_380 : vector<16xf32>
        %get3A_383 = arith.index_cast %scan3A_370 : i32 to index
        %get3A_384 = arith.constant 32 : index
        %get3A_385 = tpu.vector_load %arg7[%get3A_383, %get3A_384] {strides = array<i32>} : memref<112x64xf32, #tpu.memory_space<vmem>>, vector<1x16xf32>,
        %get3A_386 = vector.shape_cast %get3A_385 : vector<1x16xf32> to vector<16xf32>
        %max3A_387 = arith.maximumf %max3A_361, %get3A_386 : vector<16xf32>
        %add3A_388 = arith.addf %add3A_362, %get3A_386 : vector<16xf32>
        %get3A_389 = arith.index_cast %scan3A_370 : i32 to index
        %get3A_390 = arith.constant 48 : index
        %get3A_391 = tpu.vector_load %arg7[%get3A_389, %get3A_390] {strides = array<i32>} : memref<112x64xf32, #tpu.memory_space<vmem>>, vector<1x16xf32>,
        %get3A_392 = vector.shape_cast %get3A_391 : vector<1x16xf32> to vector<16xf32>
        %max3A_393 = arith.maximumf %max3A_367, %get3A_392 : vector<16xf32>
        %add3A_394 = arith.addf %add3A_368, %get3A_392 : vector<16xf32>
        %scan3A_395 = arith.constant 6 : i32
        %scan3A_396 = arith.addi %scan3A_234, %scan3A_395 : i32
        %get3A_397 = arith.index_cast %scan3A_396 : i32 to index
        %get3A_398 = arith.constant 0 : index
        %get3A_399 = tpu.vector_load %arg7[%get3A_397, %get3A_398] {strides = array<i32>} : memref<112x64xf32, #tpu.memory_space<vmem>>, vector<1x16xf32>,
        %get3A_400 = vector.shape_cast %get3A_399 : vector<1x16xf32> to vector<16xf32>
        %max3A_401 = arith.maximumf %max3A_375, %get3A_400 : vector<16xf32>
        %add3A_402 = arith.addf %add3A_376, %get3A_400 : vector<16xf32>
        %get3A_403 = arith.index_cast %scan3A_396 : i32 to index
        %get3A_404 = arith.constant 16 : index
        %get3A_405 = tpu.vector_load %arg7[%get3A_403, %get3A_404] {strides = array<i32>} : memref<112x64xf32, #tpu.memory_space<vmem>>, vector<1x16xf32>,
        %get3A_406 = vector.shape_cast %get3A_405 : vector<1x16xf32> to vector<16xf32>
        %max3A_407 = arith.maximumf %max3A_381, %get3A_406 : vector<16xf32>
        %add3A_408 = arith.addf %add3A_382, %get3A_406 : vector<16xf32>
        %get3A_409 = arith.index_cast %scan3A_396 : i32 to index
        %get3A_410 = arith.constant 32 : index
        %get3A_411 = tpu.vector_load %arg7[%get3A_409, %get3A_410] {strides = array<i32>} : memref<112x64xf32, #tpu.memory_space<vmem>>, vector<1x16xf32>,
        %get3A_412 = vector.shape_cast %get3A_411 : vector<1x16xf32> to vector<16xf32>
        %max3A_413 = arith.maximumf %max3A_387, %get3A_412 : vector<16xf32>
        %add3A_414 = arith.addf %add3A_388, %get3A_412 : vector<16xf32>
        %get3A_415 = arith.index_cast %scan3A_396 : i32 to index
        %get3A_416 = arith.constant 48 : index
        %get3A_417 = tpu.vector_load %arg7[%get3A_415, %get3A_416] {strides = array<i32>} : memref<112x64xf32, #tpu.memory_space<vmem>>, vector<1x16xf32>,
        %get3A_418 = vector.shape_cast %get3A_417 : vector<1x16xf32> to vector<16xf32>
        %max3A_419 = arith.maximumf %max3A_393, %get3A_418 : vector<16xf32>
        %add3A_420 = arith.addf %add3A_394, %get3A_418 : vector<16xf32>
        %scan3A_421 = arith.constant 7 : i32
        %scan3A_422 = arith.addi %scan3A_234, %scan3A_421 : i32
        %get3A_423 = arith.index_cast %scan3A_422 : i32 to index
        %get3A_424 = arith.constant 0 : index
        %get3A_425 = tpu.vector_load %arg7[%get3A_423, %get3A_424] {strides = array<i32>} : memref<112x64xf32, #tpu.memory_space<vmem>>, vector<1x16xf32>,
        %get3A_426 = vector.shape_cast %get3A_425 : vector<1x16xf32> to vector<16xf32>
        %max3A_427 = arith.maximumf %max3A_401, %get3A_426 : vector<16xf32>
        %add3A_428 = arith.addf %add3A_402, %get3A_426 : vector<16xf32>
        %get3A_429 = arith.index_cast %scan3A_422 : i32 to index
        %get3A_430 = arith.constant 16 : index
        %get3A_431 = tpu.vector_load %arg7[%get3A_429, %get3A_430] {strides = array<i32>} : memref<112x64xf32, #tpu.memory_space<vmem>>, vector<1x16xf32>,
        %get3A_432 = vector.shape_cast %get3A_431 : vector<1x16xf32> to vector<16xf32>
        %max3A_433 = arith.maximumf %max3A_407, %get3A_432 : vector<16xf32>
        %add3A_434 = arith.addf %add3A_408, %get3A_432 : vector<16xf32>
        %get3A_435 = arith.index_cast %scan3A_422 : i32 to index
        %get3A_436 = arith.constant 32 : index
        %get3A_437 = tpu.vector_load %arg7[%get3A_435, %get3A_436] {strides = array<i32>} : memref<112x64xf32, #tpu.memory_space<vmem>>, vector<1x16xf32>,
        %get3A_438 = vector.shape_cast %get3A_437 : vector<1x16xf32> to vector<16xf32>
        %max3A_439 = arith.maximumf %max3A_413, %get3A_438 : vector<16xf32>
        %add3A_440 = arith.addf %add3A_414, %get3A_438 : vector<16xf32>
        %get3A_441 = arith.index_cast %scan3A_422 : i32 to index
        %get3A_442 = arith.constant 48 : index
        %get3A_443 = tpu.vector_load %arg7[%get3A_441, %get3A_442] {strides = array<i32>} : memref<112x64xf32, #tpu.memory_space<vmem>>, vector<1x16xf32>,
        %get3A_444 = vector.shape_cast %get3A_443 : vector<1x16xf32> to vector<16xf32>
        %max3A_445 = arith.maximumf %max3A_419, %get3A_444 : vector<16xf32>
        %add3A_446 = arith.addf %add3A_420, %get3A_444 : vector<16xf32>
        scf.yield %max3A_427, %max3A_433, %max3A_439, %max3A_445, %add3A_428, %add3A_434, %add3A_440, %add3A_446 : vector<16xf32>, vector<16xf32>, vector<16xf32>, vector<16xf32>, vector<16xf32>, vector<16xf32>, vector<16xf32>, vector<16xf32>
      }
      %scan3A_84 = arith.constant 112 : i32
      %scan3A_85 = arith.constant 0 : i32
      %scan3A_86 = arith.constant 88 : i32
      %scan3A_87 = arith.addi %scan3A_85, %scan3A_86 : i32
      %scan3A_88 = arith.constant 8 : i32
      %scan3A_89:8 = scf.for %scan3A_234 = %scan3A_85 to %scan3A_87 step %scan3A_88 iter_args(%scan3A_235 = %scan3A_83#0, %scan3A_236 = %scan3A_83#1, %scan3A_237 = %scan3A_83#2, %scan3A_238 = %scan3A_83#3, %scan3A_239 = %scan3A_83#4, %scan3A_240 = %scan3A_83#5, %scan3A_241 = %scan3A_83#6, %scan3A_242 = %scan3A_83#7) -> (vector<16xf32>, vector<16xf32>, vector<16xf32>, vector<16xf32>, vector<16xf32>, vector<16xf32>, vector<16xf32>, vector<16xf32>)  : i32 {
        %get3A = arith.index_cast %scan3A_234 : i32 to index
        %get3A_243 = arith.constant 0 : index
        %get3A_244 = tpu.vector_load %arg8[%get3A, %get3A_243] {strides = array<i32>} : memref<88x64xf32, #tpu.memory_space<vmem>>, vector<1x16xf32>,
        %get3A_245 = vector.shape_cast %get3A_244 : vector<1x16xf32> to vector<16xf32>
        %max3A = arith.maximumf %scan3A_235, %get3A_245 : vector<16xf32>
        %add3A_246 = arith.addf %scan3A_239, %get3A_245 : vector<16xf32>
        %get3A_247 = arith.index_cast %scan3A_234 : i32 to index
        %get3A_248 = arith.constant 16 : index
        %get3A_249 = tpu.vector_load %arg8[%get3A_247, %get3A_248] {strides = array<i32>} : memref<88x64xf32, #tpu.memory_space<vmem>>, vector<1x16xf32>,
        %get3A_250 = vector.shape_cast %get3A_249 : vector<1x16xf32> to vector<16xf32>
        %max3A_251 = arith.maximumf %scan3A_236, %get3A_250 : vector<16xf32>
        %add3A_252 = arith.addf %scan3A_240, %get3A_250 : vector<16xf32>
        %get3A_253 = arith.index_cast %scan3A_234 : i32 to index
        %get3A_254 = arith.constant 32 : index
        %get3A_255 = tpu.vector_load %arg8[%get3A_253, %get3A_254] {strides = array<i32>} : memref<88x64xf32, #tpu.memory_space<vmem>>, vector<1x16xf32>,
        %get3A_256 = vector.shape_cast %get3A_255 : vector<1x16xf32> to vector<16xf32>
        %max3A_257 = arith.maximumf %scan3A_237, %get3A_256 : vector<16xf32>
        %add3A_258 = arith.addf %scan3A_241, %get3A_256 : vector<16xf32>
        %get3A_259 = arith.index_cast %scan3A_234 : i32 to index
        %get3A_260 = arith.constant 48 : index
        %get3A_261 = tpu.vector_load %arg8[%get3A_259, %get3A_260] {strides = array<i32>} : memref<88x64xf32, #tpu.memory_space<vmem>>, vector<1x16xf32>,
        %get3A_262 = vector.shape_cast %get3A_261 : vector<1x16xf32> to vector<16xf32>
        %max3A_263 = arith.maximumf %scan3A_238, %get3A_262 : vector<16xf32>
        %add3A_264 = arith.addf %scan3A_242, %get3A_262 : vector<16xf32>
        %scan3A_265 = arith.constant 1 : i32
        %scan3A_266 = arith.addi %scan3A_234, %scan3A_265 : i32
        %get3A_267 = arith.index_cast %scan3A_266 : i32 to index
        %get3A_268 = arith.constant 0 : index
        %get3A_269 = tpu.vector_load %arg8[%get3A_267, %get3A_268] {strides = array<i32>} : memref<88x64xf32, #tpu.memory_space<vmem>>, vector<1x16xf32>,
        %get3A_270 = vector.shape_cast %get3A_269 : vector<1x16xf32> to vector<16xf32>
        %max3A_271 = arith.maximumf %max3A, %get3A_270 : vector<16xf32>
        %add3A_272 = arith.addf %add3A_246, %get3A_270 : vector<16xf32>
        %get3A_273 = arith.index_cast %scan3A_266 : i32 to index
        %get3A_274 = arith.constant 16 : index
        %get3A_275 = tpu.vector_load %arg8[%get3A_273, %get3A_274] {strides = array<i32>} : memref<88x64xf32, #tpu.memory_space<vmem>>, vector<1x16xf32>,
        %get3A_276 = vector.shape_cast %get3A_275 : vector<1x16xf32> to vector<16xf32>
        %max3A_277 = arith.maximumf %max3A_251, %get3A_276 : vector<16xf32>
        %add3A_278 = arith.addf %add3A_252, %get3A_276 : vector<16xf32>
        %get3A_279 = arith.index_cast %scan3A_266 : i32 to index
        %get3A_280 = arith.constant 32 : index
        %get3A_281 = tpu.vector_load %arg8[%get3A_279, %get3A_280] {strides = array<i32>} : memref<88x64xf32, #tpu.memory_space<vmem>>, vector<1x16xf32>,
        %get3A_282 = vector.shape_cast %get3A_281 : vector<1x16xf32> to vector<16xf32>
        %max3A_283 = arith.maximumf %max3A_257, %get3A_282 : vector<16xf32>
        %add3A_284 = arith.addf %add3A_258, %get3A_282 : vector<16xf32>
        %get3A_285 = arith.index_cast %scan3A_266 : i32 to index
        %get3A_286 = arith.constant 48 : index
        %get3A_287 = tpu.vector_load %arg8[%get3A_285, %get3A_286] {strides = array<i32>} : memref<88x64xf32, #tpu.memory_space<vmem>>, vector<1x16xf32>,
        %get3A_288 = vector.shape_cast %get3A_287 : vector<1x16xf32> to vector<16xf32>
        %max3A_289 = arith.maximumf %max3A_263, %get3A_288 : vector<16xf32>
        %add3A_290 = arith.addf %add3A_264, %get3A_288 : vector<16xf32>
        %scan3A_291 = arith.constant 2 : i32
        %scan3A_292 = arith.addi %scan3A_234, %scan3A_291 : i32
        %get3A_293 = arith.index_cast %scan3A_292 : i32 to index
        %get3A_294 = arith.constant 0 : index
        %get3A_295 = tpu.vector_load %arg8[%get3A_293, %get3A_294] {strides = array<i32>} : memref<88x64xf32, #tpu.memory_space<vmem>>, vector<1x16xf32>,
        %get3A_296 = vector.shape_cast %get3A_295 : vector<1x16xf32> to vector<16xf32>
        %max3A_297 = arith.maximumf %max3A_271, %get3A_296 : vector<16xf32>
        %add3A_298 = arith.addf %add3A_272, %get3A_296 : vector<16xf32>
        %get3A_299 = arith.index_cast %scan3A_292 : i32 to index
        %get3A_300 = arith.constant 16 : index
        %get3A_301 = tpu.vector_load %arg8[%get3A_299, %get3A_300] {strides = array<i32>} : memref<88x64xf32, #tpu.memory_space<vmem>>, vector<1x16xf32>,
        %get3A_302 = vector.shape_cast %get3A_301 : vector<1x16xf32> to vector<16xf32>
        %max3A_303 = arith.maximumf %max3A_277, %get3A_302 : vector<16xf32>
        %add3A_304 = arith.addf %add3A_278, %get3A_302 : vector<16xf32>
        %get3A_305 = arith.index_cast %scan3A_292 : i32 to index
        %get3A_306 = arith.constant 32 : index
        %get3A_307 = tpu.vector_load %arg8[%get3A_305, %get3A_306] {strides = array<i32>} : memref<88x64xf32, #tpu.memory_space<vmem>>, vector<1x16xf32>,
        %get3A_308 = vector.shape_cast %get3A_307 : vector<1x16xf32> to vector<16xf32>
        %max3A_309 = arith.maximumf %max3A_283, %get3A_308 : vector<16xf32>
        %add3A_310 = arith.addf %add3A_284, %get3A_308 : vector<16xf32>
        %get3A_311 = arith.index_cast %scan3A_292 : i32 to index
        %get3A_312 = arith.constant 48 : index
        %get3A_313 = tpu.vector_load %arg8[%get3A_311, %get3A_312] {strides = array<i32>} : memref<88x64xf32, #tpu.memory_space<vmem>>, vector<1x16xf32>,
        %get3A_314 = vector.shape_cast %get3A_313 : vector<1x16xf32> to vector<16xf32>
        %max3A_315 = arith.maximumf %max3A_289, %get3A_314 : vector<16xf32>
        %add3A_316 = arith.addf %add3A_290, %get3A_314 : vector<16xf32>
        %scan3A_317 = arith.constant 3 : i32
        %scan3A_318 = arith.addi %scan3A_234, %scan3A_317 : i32
        %get3A_319 = arith.index_cast %scan3A_318 : i32 to index
        %get3A_320 = arith.constant 0 : index
        %get3A_321 = tpu.vector_load %arg8[%get3A_319, %get3A_320] {strides = array<i32>} : memref<88x64xf32, #tpu.memory_space<vmem>>, vector<1x16xf32>,
        %get3A_322 = vector.shape_cast %get3A_321 : vector<1x16xf32> to vector<16xf32>
        %max3A_323 = arith.maximumf %max3A_297, %get3A_322 : vector<16xf32>
        %add3A_324 = arith.addf %add3A_298, %get3A_322 : vector<16xf32>
        %get3A_325 = arith.index_cast %scan3A_318 : i32 to index
        %get3A_326 = arith.constant 16 : index
        %get3A_327 = tpu.vector_load %arg8[%get3A_325, %get3A_326] {strides = array<i32>} : memref<88x64xf32, #tpu.memory_space<vmem>>, vector<1x16xf32>,
        %get3A_328 = vector.shape_cast %get3A_327 : vector<1x16xf32> to vector<16xf32>
        %max3A_329 = arith.maximumf %max3A_303, %get3A_328 : vector<16xf32>
        %add3A_330 = arith.addf %add3A_304, %get3A_328 : vector<16xf32>
        %get3A_331 = arith.index_cast %scan3A_318 : i32 to index
        %get3A_332 = arith.constant 32 : index
        %get3A_333 = tpu.vector_load %arg8[%get3A_331, %get3A_332] {strides = array<i32>} : memref<88x64xf32, #tpu.memory_space<vmem>>, vector<1x16xf32>,
        %get3A_334 = vector.shape_cast %get3A_333 : vector<1x16xf32> to vector<16xf32>
        %max3A_335 = arith.maximumf %max3A_309, %get3A_334 : vector<16xf32>
        %add3A_336 = arith.addf %add3A_310, %get3A_334 : vector<16xf32>
        %get3A_337 = arith.index_cast %scan3A_318 : i32 to index
        %get3A_338 = arith.constant 48 : index
        %get3A_339 = tpu.vector_load %arg8[%get3A_337, %get3A_338] {strides = array<i32>} : memref<88x64xf32, #tpu.memory_space<vmem>>, vector<1x16xf32>,
        %get3A_340 = vector.shape_cast %get3A_339 : vector<1x16xf32> to vector<16xf32>
        %max3A_341 = arith.maximumf %max3A_315, %get3A_340 : vector<16xf32>
        %add3A_342 = arith.addf %add3A_316, %get3A_340 : vector<16xf32>
        %scan3A_343 = arith.constant 4 : i32
        %scan3A_344 = arith.addi %scan3A_234, %scan3A_343 : i32
        %get3A_345 = arith.index_cast %scan3A_344 : i32 to index
        %get3A_346 = arith.constant 0 : index
        %get3A_347 = tpu.vector_load %arg8[%get3A_345, %get3A_346] {strides = array<i32>} : memref<88x64xf32, #tpu.memory_space<vmem>>, vector<1x16xf32>,
        %get3A_348 = vector.shape_cast %get3A_347 : vector<1x16xf32> to vector<16xf32>
        %max3A_349 = arith.maximumf %max3A_323, %get3A_348 : vector<16xf32>
        %add3A_350 = arith.addf %add3A_324, %get3A_348 : vector<16xf32>
        %get3A_351 = arith.index_cast %scan3A_344 : i32 to index
        %get3A_352 = arith.constant 16 : index
        %get3A_353 = tpu.vector_load %arg8[%get3A_351, %get3A_352] {strides = array<i32>} : memref<88x64xf32, #tpu.memory_space<vmem>>, vector<1x16xf32>,
        %get3A_354 = vector.shape_cast %get3A_353 : vector<1x16xf32> to vector<16xf32>
        %max3A_355 = arith.maximumf %max3A_329, %get3A_354 : vector<16xf32>
        %add3A_356 = arith.addf %add3A_330, %get3A_354 : vector<16xf32>
        %get3A_357 = arith.index_cast %scan3A_344 : i32 to index
        %get3A_358 = arith.constant 32 : index
        %get3A_359 = tpu.vector_load %arg8[%get3A_357, %get3A_358] {strides = array<i32>} : memref<88x64xf32, #tpu.memory_space<vmem>>, vector<1x16xf32>,
        %get3A_360 = vector.shape_cast %get3A_359 : vector<1x16xf32> to vector<16xf32>
        %max3A_361 = arith.maximumf %max3A_335, %get3A_360 : vector<16xf32>
        %add3A_362 = arith.addf %add3A_336, %get3A_360 : vector<16xf32>
        %get3A_363 = arith.index_cast %scan3A_344 : i32 to index
        %get3A_364 = arith.constant 48 : index
        %get3A_365 = tpu.vector_load %arg8[%get3A_363, %get3A_364] {strides = array<i32>} : memref<88x64xf32, #tpu.memory_space<vmem>>, vector<1x16xf32>,
        %get3A_366 = vector.shape_cast %get3A_365 : vector<1x16xf32> to vector<16xf32>
        %max3A_367 = arith.maximumf %max3A_341, %get3A_366 : vector<16xf32>
        %add3A_368 = arith.addf %add3A_342, %get3A_366 : vector<16xf32>
        %scan3A_369 = arith.constant 5 : i32
        %scan3A_370 = arith.addi %scan3A_234, %scan3A_369 : i32
        %get3A_371 = arith.index_cast %scan3A_370 : i32 to index
        %get3A_372 = arith.constant 0 : index
        %get3A_373 = tpu.vector_load %arg8[%get3A_371, %get3A_372] {strides = array<i32>} : memref<88x64xf32, #tpu.memory_space<vmem>>, vector<1x16xf32>,
        %get3A_374 = vector.shape_cast %get3A_373 : vector<1x16xf32> to vector<16xf32>
        %max3A_375 = arith.maximumf %max3A_349, %get3A_374 : vector<16xf32>
        %add3A_376 = arith.addf %add3A_350, %get3A_374 : vector<16xf32>
        %get3A_377 = arith.index_cast %scan3A_370 : i32 to index
        %get3A_378 = arith.constant 16 : index
        %get3A_379 = tpu.vector_load %arg8[%get3A_377, %get3A_378] {strides = array<i32>} : memref<88x64xf32, #tpu.memory_space<vmem>>, vector<1x16xf32>,
        %get3A_380 = vector.shape_cast %get3A_379 : vector<1x16xf32> to vector<16xf32>
        %max3A_381 = arith.maximumf %max3A_355, %get3A_380 : vector<16xf32>
        %add3A_382 = arith.addf %add3A_356, %get3A_380 : vector<16xf32>
        %get3A_383 = arith.index_cast %scan3A_370 : i32 to index
        %get3A_384 = arith.constant 32 : index
        %get3A_385 = tpu.vector_load %arg8[%get3A_383, %get3A_384] {strides = array<i32>} : memref<88x64xf32, #tpu.memory_space<vmem>>, vector<1x16xf32>,
        %get3A_386 = vector.shape_cast %get3A_385 : vector<1x16xf32> to vector<16xf32>
        %max3A_387 = arith.maximumf %max3A_361, %get3A_386 : vector<16xf32>
        %add3A_388 = arith.addf %add3A_362, %get3A_386 : vector<16xf32>
        %get3A_389 = arith.index_cast %scan3A_370 : i32 to index
        %get3A_390 = arith.constant 48 : index
        %get3A_391 = tpu.vector_load %arg8[%get3A_389, %get3A_390] {strides = array<i32>} : memref<88x64xf32, #tpu.memory_space<vmem>>, vector<1x16xf32>,
        %get3A_392 = vector.shape_cast %get3A_391 : vector<1x16xf32> to vector<16xf32>
        %max3A_393 = arith.maximumf %max3A_367, %get3A_392 : vector<16xf32>
        %add3A_394 = arith.addf %add3A_368, %get3A_392 : vector<16xf32>
        %scan3A_395 = arith.constant 6 : i32
        %scan3A_396 = arith.addi %scan3A_234, %scan3A_395 : i32
        %get3A_397 = arith.index_cast %scan3A_396 : i32 to index
        %get3A_398 = arith.constant 0 : index
        %get3A_399 = tpu.vector_load %arg8[%get3A_397, %get3A_398] {strides = array<i32>} : memref<88x64xf32, #tpu.memory_space<vmem>>, vector<1x16xf32>,
        %get3A_400 = vector.shape_cast %get3A_399 : vector<1x16xf32> to vector<16xf32>
        %max3A_401 = arith.maximumf %max3A_375, %get3A_400 : vector<16xf32>
        %add3A_402 = arith.addf %add3A_376, %get3A_400 : vector<16xf32>
        %get3A_403 = arith.index_cast %scan3A_396 : i32 to index
        %get3A_404 = arith.constant 16 : index
        %get3A_405 = tpu.vector_load %arg8[%get3A_403, %get3A_404] {strides = array<i32>} : memref<88x64xf32, #tpu.memory_space<vmem>>, vector<1x16xf32>,
        %get3A_406 = vector.shape_cast %get3A_405 : vector<1x16xf32> to vector<16xf32>
        %max3A_407 = arith.maximumf %max3A_381, %get3A_406 : vector<16xf32>
        %add3A_408 = arith.addf %add3A_382, %get3A_406 : vector<16xf32>
        %get3A_409 = arith.index_cast %scan3A_396 : i32 to index
        %get3A_410 = arith.constant 32 : index
        %get3A_411 = tpu.vector_load %arg8[%get3A_409, %get3A_410] {strides = array<i32>} : memref<88x64xf32, #tpu.memory_space<vmem>>, vector<1x16xf32>,
        %get3A_412 = vector.shape_cast %get3A_411 : vector<1x16xf32> to vector<16xf32>
        %max3A_413 = arith.maximumf %max3A_387, %get3A_412 : vector<16xf32>
        %add3A_414 = arith.addf %add3A_388, %get3A_412 : vector<16xf32>
        %get3A_415 = arith.index_cast %scan3A_396 : i32 to index
        %get3A_416 = arith.constant 48 : index
        %get3A_417 = tpu.vector_load %arg8[%get3A_415, %get3A_416] {strides = array<i32>} : memref<88x64xf32, #tpu.memory_space<vmem>>, vector<1x16xf32>,
        %get3A_418 = vector.shape_cast %get3A_417 : vector<1x16xf32> to vector<16xf32>
        %max3A_419 = arith.maximumf %max3A_393, %get3A_418 : vector<16xf32>
        %add3A_420 = arith.addf %add3A_394, %get3A_418 : vector<16xf32>
        %scan3A_421 = arith.constant 7 : i32
        %scan3A_422 = arith.addi %scan3A_234, %scan3A_421 : i32
        %get3A_423 = arith.index_cast %scan3A_422 : i32 to index
        %get3A_424 = arith.constant 0 : index
        %get3A_425 = tpu.vector_load %arg8[%get3A_423, %get3A_424] {strides = array<i32>} : memref<88x64xf32, #tpu.memory_space<vmem>>, vector<1x16xf32>,
        %get3A_426 = vector.shape_cast %get3A_425 : vector<1x16xf32> to vector<16xf32>
        %max3A_427 = arith.maximumf %max3A_401, %get3A_426 : vector<16xf32>
        %add3A_428 = arith.addf %add3A_402, %get3A_426 : vector<16xf32>
        %get3A_429 = arith.index_cast %scan3A_422 : i32 to index
        %get3A_430 = arith.constant 16 : index
        %get3A_431 = tpu.vector_load %arg8[%get3A_429, %get3A_430] {strides = array<i32>} : memref<88x64xf32, #tpu.memory_space<vmem>>, vector<1x16xf32>,
        %get3A_432 = vector.shape_cast %get3A_431 : vector<1x16xf32> to vector<16xf32>
        %max3A_433 = arith.maximumf %max3A_407, %get3A_432 : vector<16xf32>
        %add3A_434 = arith.addf %add3A_408, %get3A_432 : vector<16xf32>
        %get3A_435 = arith.index_cast %scan3A_422 : i32 to index
        %get3A_436 = arith.constant 32 : index
        %get3A_437 = tpu.vector_load %arg8[%get3A_435, %get3A_436] {strides = array<i32>} : memref<88x64xf32, #tpu.memory_space<vmem>>, vector<1x16xf32>,
        %get3A_438 = vector.shape_cast %get3A_437 : vector<1x16xf32> to vector<16xf32>
        %max3A_439 = arith.maximumf %max3A_413, %get3A_438 : vector<16xf32>
        %add3A_440 = arith.addf %add3A_414, %get3A_438 : vector<16xf32>
        %get3A_441 = arith.index_cast %scan3A_422 : i32 to index
        %get3A_442 = arith.constant 48 : index
        %get3A_443 = tpu.vector_load %arg8[%get3A_441, %get3A_442] {strides = array<i32>} : memref<88x64xf32, #tpu.memory_space<vmem>>, vector<1x16xf32>,
        %get3A_444 = vector.shape_cast %get3A_443 : vector<1x16xf32> to vector<16xf32>
        %max3A_445 = arith.maximumf %max3A_419, %get3A_444 : vector<16xf32>
        %add3A_446 = arith.addf %add3A_420, %get3A_444 : vector<16xf32>
        scf.yield %max3A_427, %max3A_433, %max3A_439, %max3A_445, %add3A_428, %add3A_434, %add3A_440, %add3A_446 : vector<16xf32>, vector<16xf32>, vector<16xf32>, vector<16xf32>, vector<16xf32>, vector<16xf32>, vector<16xf32>, vector<16xf32>
      }
      %scan3A_90 = arith.constant 88 : i32
      %swap3A = arith.index_cast %add3A_58 : i32 to index
      %swap3A_91 = arith.constant 0 : index
      %swap3A_92 = tpu.vector_load %arg13[%swap3A, %swap3A_91] {strides = array<i32>} : memref<128x128xf32, #tpu.memory_space<vmem>>, vector<1x16xf32>,
      %swap3A_93 = vector.shape_cast %swap3A_92 : vector<1x16xf32> to vector<16xf32>
      %swap3A_94 = vector.shape_cast %scan3A_89#0 : vector<16xf32> to vector<1x16xf32>
      tpu.vector_store %arg13[%swap3A, %swap3A_91], %swap3A_94 {strides = array<i32>} : memref<128x128xf32, #tpu.memory_space<vmem>>, vector<1x16xf32>,
      %mul3A_95 = arith.constant 5.000000e-03 : f32
      %mul3A_96 = vector.broadcast %mul3A_95 : f32 to vector<16xf32>
      %mul3A_97 = arith.mulf %scan3A_89#4, %mul3A_96 : vector<16xf32>
      %swap3A_98 = arith.index_cast %add3A_58 : i32 to index
      %swap3A_99 = arith.constant 64 : index
      %swap3A_100 = tpu.vector_load %arg13[%swap3A_98, %swap3A_99] {strides = array<i32>} : memref<128x128xf32, #tpu.memory_space<vmem>>, vector<1x16xf32>,
      %swap3A_101 = vector.shape_cast %swap3A_100 : vector<1x16xf32> to vector<16xf32>
      %swap3A_102 = vector.shape_cast %mul3A_97 : vector<16xf32> to vector<1x16xf32>
      tpu.vector_store %arg13[%swap3A_98, %swap3A_99], %swap3A_102 {strides = array<i32>} : memref<128x128xf32, #tpu.memory_space<vmem>>, vector<1x16xf32>,
      %swap3A_103 = arith.index_cast %add3A_58 : i32 to index
      %swap3A_104 = arith.constant 16 : index
      %swap3A_105 = tpu.vector_load %arg13[%swap3A_103, %swap3A_104] {strides = array<i32>} : memref<128x128xf32, #tpu.memory_space<vmem>>, vector<1x16xf32>,
      %swap3A_106 = vector.shape_cast %swap3A_105 : vector<1x16xf32> to vector<16xf32>
      %swap3A_107 = vector.shape_cast %scan3A_89#1 : vector<16xf32> to vector<1x16xf32>
      tpu.vector_store %arg13[%swap3A_103, %swap3A_104], %swap3A_107 {strides = array<i32>} : memref<128x128xf32, #tpu.memory_space<vmem>>, vector<1x16xf32>,
      %mul3A_108 = arith.constant 5.000000e-03 : f32
      %mul3A_109 = vector.broadcast %mul3A_108 : f32 to vector<16xf32>
      %mul3A_110 = arith.mulf %scan3A_89#5, %mul3A_109 : vector<16xf32>
      %swap3A_111 = arith.index_cast %add3A_58 : i32 to index
      %swap3A_112 = arith.constant 80 : index
      %swap3A_113 = tpu.vector_load %arg13[%swap3A_111, %swap3A_112] {strides = array<i32>} : memref<128x128xf32, #tpu.memory_space<vmem>>, vector<1x16xf32>,
      %swap3A_114 = vector.shape_cast %swap3A_113 : vector<1x16xf32> to vector<16xf32>
      %swap3A_115 = vector.shape_cast %mul3A_110 : vector<16xf32> to vector<1x16xf32>
      tpu.vector_store %arg13[%swap3A_111, %swap3A_112], %swap3A_115 {strides = array<i32>} : memref<128x128xf32, #tpu.memory_space<vmem>>, vector<1x16xf32>,
      %swap3A_116 = arith.index_cast %add3A_58 : i32 to index
      %swap3A_117 = arith.constant 32 : index
      %swap3A_118 = tpu.vector_load %arg13[%swap3A_116, %swap3A_117] {strides = array<i32>} : memref<128x128xf32, #tpu.memory_space<vmem>>, vector<1x16xf32>,
      %swap3A_119 = vector.shape_cast %swap3A_118 : vector<1x16xf32> to vector<16xf32>
      %swap3A_120 = vector.shape_cast %scan3A_89#2 : vector<16xf32> to vector<1x16xf32>
      tpu.vector_store %arg13[%swap3A_116, %swap3A_117], %swap3A_120 {strides = array<i32>} : memref<128x128xf32, #tpu.memory_space<vmem>>, vector<1x16xf32>,
      %mul3A_121 = arith.constant 5.000000e-03 : f32
      %mul3A_122 = vector.broadcast %mul3A_121 : f32 to vector<16xf32>
      %mul3A_123 = arith.mulf %scan3A_89#6, %mul3A_122 : vector<16xf32>
      %swap3A_124 = arith.index_cast %add3A_58 : i32 to index
      %swap3A_125 = arith.constant 96 : index
      %swap3A_126 = tpu.vector_load %arg13[%swap3A_124, %swap3A_125] {strides = array<i32>} : memref<128x128xf32, #tpu.memory_space<vmem>>, vector<1x16xf32>,
      %swap3A_127 = vector.shape_cast %swap3A_126 : vector<1x16xf32> to vector<16xf32>
      %swap3A_128 = vector.shape_cast %mul3A_123 : vector<16xf32> to vector<1x16xf32>
      tpu.vector_store %arg13[%swap3A_124, %swap3A_125], %swap3A_128 {strides = array<i32>} : memref<128x128xf32, #tpu.memory_space<vmem>>, vector<1x16xf32>,
      %swap3A_129 = arith.index_cast %add3A_58 : i32 to index
      %swap3A_130 = arith.constant 48 : index
      %swap3A_131 = tpu.vector_load %arg13[%swap3A_129, %swap3A_130] {strides = array<i32>} : memref<128x128xf32, #tpu.memory_space<vmem>>, vector<1x16xf32>,
      %swap3A_132 = vector.shape_cast %swap3A_131 : vector<1x16xf32> to vector<16xf32>
      %swap3A_133 = vector.shape_cast %scan3A_89#3 : vector<16xf32> to vector<1x16xf32>
      tpu.vector_store %arg13[%swap3A_129, %swap3A_130], %swap3A_133 {strides = array<i32>} : memref<128x128xf32, #tpu.memory_space<vmem>>, vector<1x16xf32>,
      %mul3A_134 = arith.constant 5.000000e-03 : f32
      %mul3A_135 = vector.broadcast %mul3A_134 : f32 to vector<16xf32>
      %mul3A_136 = arith.mulf %scan3A_89#7, %mul3A_135 : vector<16xf32>
      %swap3A_137 = arith.index_cast %add3A_58 : i32 to index
      %swap3A_138 = arith.constant 112 : index
      %swap3A_139 = tpu.vector_load %arg13[%swap3A_137, %swap3A_138] {strides = array<i32>} : memref<128x128xf32, #tpu.memory_space<vmem>>, vector<1x16xf32>,
      %swap3A_140 = vector.shape_cast %swap3A_139 : vector<1x16xf32> to vector<16xf32>
      %swap3A_141 = vector.shape_cast %mul3A_136 : vector<16xf32> to vector<1x16xf32>
      tpu.vector_store %arg13[%swap3A_137, %swap3A_138], %swap3A_141 {strides = array<i32>} : memref<128x128xf32, #tpu.memory_space<vmem>>, vector<1x16xf32>,
      %mul3A_142 = arith.constant 2 : i32
      %mul3A_143 = arith.muli %scan3A_54, %mul3A_142 : i32
      %add3A_144 = arith.constant 1 : i32
      %add3A_145 = arith.addi %mul3A_143, %add3A_144 : i32
      %dma_wait3A_146 = arith.constant 0 : i32
      %dma_wait3A_147 = arith.constant 0 : i32
      %dma_wait3A_148 = tpu.memref_slice %arg3[%dma_wait3A_146, %dma_wait3A_147] : memref<100000x64xf32, #tpu.memory_space<hbm>> -> memref<100000x64xf32, #tpu.memory_space<hbm>>
      tpu.wait_indirect_dma semaphore(%arg17 : memref<!tpu.dma_semaphore, #tpu.memory_space<semaphore_mem>>) src(%dma_wait3A_148 : memref<100000x64xf32, #tpu.memory_space<hbm>>) dst(%arg11 : memref<112x64xf32, #tpu.memory_space<vmem>>)
      %dma_wait3A_149 = arith.constant 0 : i32
      %dma_wait3A_150 = arith.constant 0 : i32
      %dma_wait3A_151 = tpu.memref_slice %arg3[%dma_wait3A_149, %dma_wait3A_150] : memref<100000x64xf32, #tpu.memory_space<hbm>> -> memref<100000x64xf32, #tpu.memory_space<hbm>>
      tpu.wait_indirect_dma semaphore(%arg17 : memref<!tpu.dma_semaphore, #tpu.memory_space<semaphore_mem>>) src(%dma_wait3A_151 : memref<100000x64xf32, #tpu.memory_space<hbm>>) dst(%arg12 : memref<88x64xf32, #tpu.memory_space<vmem>>)
      %add3A_152 = arith.constant 2 : i32
      %add3A_153 = arith.addi %add3A_145, %add3A_152 : i32
      %lt3A_154 = arith.constant 128 : i32
      %lt3A_155 = arith.cmpi slt, %add3A_153, %lt3A_154 : i32
      %convert_element_type3A_156 = arith.extui %lt3A_155 : i1 to i32
      %cond3A_157 = arith.constant 0 : i32
      %cond3A_158 = arith.cmpi ne, %convert_element_type3A_156, %cond3A_157 : i32
      scf.if %cond3A_158 {
        %add3A_234 = arith.addi %mul3A_2, %add3A_153 : i32
        %dma_start3A_235 = arith.constant 0 : i32
        %dma_start3A_236 = tpu.memref_slice %arg2[%add3A_234, %dma_start3A_235] : memref<4096x200xi32, #tpu.memory_space<hbm>> -> memref<1x112xi32, #tpu.memory_space<hbm>>
        %dma_start3A_237 = tpu.memref_squeeze %dma_start3A_236 : memref<1x112xi32, #tpu.memory_space<hbm>> -> memref<112xi32, #tpu.memory_space<hbm>>
        %dma_start3A_238 = arith.constant 0 : i32
        %dma_start3A_239 = tpu.memref_slice %arg2[%add3A_234, %dma_start3A_238] : memref<4096x200xi32, #tpu.memory_space<hbm>> -> memref<1x112xi32, #tpu.memory_space<hbm>>
        %dma_start3A_240 = tpu.memref_squeeze %dma_start3A_239 : memref<1x112xi32, #tpu.memory_space<hbm>> -> memref<112xi32, #tpu.memory_space<hbm>>
        tpu.enqueue_dma source(%dma_start3A_240 : memref<112xi32, #tpu.memory_space<hbm>>) target(%arg9 : memref<112xi32, #tpu.memory_space<vmem>>) target_semaphore(%arg15 : memref<!tpu.dma_semaphore, #tpu.memory_space<semaphore_mem>>)
        %dma_start3A_241 = arith.constant 112 : i32
        %dma_start3A_242 = tpu.memref_slice %arg2[%add3A_234, %dma_start3A_241] : memref<4096x200xi32, #tpu.memory_space<hbm>> -> memref<1x88xi32, #tpu.memory_space<hbm>>
        %dma_start3A_243 = tpu.memref_squeeze %dma_start3A_242 : memref<1x88xi32, #tpu.memory_space<hbm>> -> memref<88xi32, #tpu.memory_space<hbm>>
        %dma_start3A_244 = arith.constant 112 : i32
        %dma_start3A_245 = tpu.memref_slice %arg2[%add3A_234, %dma_start3A_244] : memref<4096x200xi32, #tpu.memory_space<hbm>> -> memref<1x88xi32, #tpu.memory_space<hbm>>
        %dma_start3A_246 = tpu.memref_squeeze %dma_start3A_245 : memref<1x88xi32, #tpu.memory_space<hbm>> -> memref<88xi32, #tpu.memory_space<hbm>>
        tpu.enqueue_dma source(%dma_start3A_246 : memref<88xi32, #tpu.memory_space<hbm>>) target(%arg10 : memref<88xi32, #tpu.memory_space<vmem>>) target_semaphore(%arg15 : memref<!tpu.dma_semaphore, #tpu.memory_space<semaphore_mem>>)
      } else {
      }
      %add3A_159 = arith.constant 1 : i32
      %add3A_160 = arith.addi %add3A_145, %add3A_159 : i32
      %lt3A_161 = arith.constant 128 : i32
      %lt3A_162 = arith.cmpi slt, %add3A_160, %lt3A_161 : i32
      %convert_element_type3A_163 = arith.extui %lt3A_162 : i1 to i32
      %cond3A_164 = arith.constant 0 : i32
      %cond3A_165 = arith.cmpi ne, %convert_element_type3A_163, %cond3A_164 : i32
      scf.if %cond3A_165 {
        %add3A_234 = arith.constant 0 : i32
        %add3A_235 = arith.addi %mul3A_2, %add3A_234 : i32
        %dma_wait3A_236 = arith.constant 0 : i32
        %dma_wait3A_237 = tpu.memref_slice %arg2[%add3A_235, %dma_wait3A_236] : memref<4096x200xi32, #tpu.memory_space<hbm>> -> memref<1x112xi32, #tpu.memory_space<hbm>>
        %dma_wait3A_238 = tpu.memref_squeeze %dma_wait3A_237 : memref<1x112xi32, #tpu.memory_space<hbm>> -> memref<112xi32, #tpu.memory_space<hbm>>
        %dma_wait3A_239 = arith.constant 0 : i32
        %dma_wait3A_240 = tpu.memref_slice %arg2[%add3A_235, %dma_wait3A_239] : memref<4096x200xi32, #tpu.memory_space<hbm>> -> memref<1x112xi32, #tpu.memory_space<hbm>>
        %dma_wait3A_241 = tpu.memref_squeeze %dma_wait3A_240 : memref<1x112xi32, #tpu.memory_space<hbm>> -> memref<112xi32, #tpu.memory_space<hbm>>
        tpu.wait_dma2 semaphore(%arg14 : memref<!tpu.dma_semaphore, #tpu.memory_space<semaphore_mem>>) src(%dma_wait3A_241 : memref<112xi32, #tpu.memory_space<hbm>>) dst(%arg5 : memref<112xi32, #tpu.memory_space<vmem>>)
        %dma_wait3A_242 = arith.constant 112 : i32
        %dma_wait3A_243 = tpu.memref_slice %arg2[%add3A_235, %dma_wait3A_242] : memref<4096x200xi32, #tpu.memory_space<hbm>> -> memref<1x88xi32, #tpu.memory_space<hbm>>
        %dma_wait3A_244 = tpu.memref_squeeze %dma_wait3A_243 : memref<1x88xi32, #tpu.memory_space<hbm>> -> memref<88xi32, #tpu.memory_space<hbm>>
        %dma_wait3A_245 = arith.constant 112 : i32
        %dma_wait3A_246 = tpu.memref_slice %arg2[%add3A_235, %dma_wait3A_245] : memref<4096x200xi32, #tpu.memory_space<hbm>> -> memref<1x88xi32, #tpu.memory_space<hbm>>
        %dma_wait3A_247 = tpu.memref_squeeze %dma_wait3A_246 : memref<1x88xi32, #tpu.memory_space<hbm>> -> memref<88xi32, #tpu.memory_space<hbm>>
        tpu.wait_dma2 semaphore(%arg14 : memref<!tpu.dma_semaphore, #tpu.memory_space<semaphore_mem>>) src(%dma_wait3A_247 : memref<88xi32, #tpu.memory_space<hbm>>) dst(%arg6 : memref<88xi32, #tpu.memory_space<vmem>>)
        %dma_start3A_248 = arith.constant 0 : i32
        %dma_start3A_249 = arith.constant 0 : i32
        %dma_start3A_250 = tpu.memref_slice %arg3[%dma_start3A_248, %dma_start3A_249] : memref<100000x64xf32, #tpu.memory_space<hbm>> -> memref<100000x64xf32, #tpu.memory_space<hbm>>
        tpu.enqueue_indirect_dma source(%dma_start3A_250 : memref<100000x64xf32, #tpu.memory_space<hbm>>) target(%arg7 : memref<112x64xf32, #tpu.memory_space<vmem>>) offsets(%arg5 : memref<112xi32, #tpu.memory_space<vmem>>) semaphore(%arg16 : memref<!tpu.dma_semaphore, #tpu.memory_space<semaphore_mem>>)
        %dma_start3A_251 = arith.constant 0 : i32
        %dma_start3A_252 = arith.constant 0 : i32
        %dma_start3A_253 = tpu.memref_slice %arg3[%dma_start3A_251, %dma_start3A_252] : memref<100000x64xf32, #tpu.memory_space<hbm>> -> memref<100000x64xf32, #tpu.memory_space<hbm>>
        tpu.enqueue_indirect_dma source(%dma_start3A_253 : memref<100000x64xf32, #tpu.memory_space<hbm>>) target(%arg8 : memref<88x64xf32, #tpu.memory_space<vmem>>) offsets(%arg6 : memref<88xi32, #tpu.memory_space<vmem>>) semaphore(%arg16 : memref<!tpu.dma_semaphore, #tpu.memory_space<semaphore_mem>>)
      } else {
      }
      %broadcast_in_dim3A_166 = arith.constant 0xFF800000 : f32
      %broadcast_in_dim3A_167 = vector.broadcast %broadcast_in_dim3A_166 : f32 to vector<16xf32>
      %broadcast_in_dim3A_168 = arith.constant 0.000000e+00 : f32
      %broadcast_in_dim3A_169 = vector.broadcast %broadcast_in_dim3A_168 : f32 to vector<16xf32>
      %scan3A_170 = arith.constant 0 : i32
      %scan3A_171 = arith.constant 112 : i32
      %scan3A_172 = arith.addi %scan3A_170, %scan3A_171 : i32
      %scan3A_173 = arith.constant 8 : i32
      %scan3A_174:8 = scf.for %scan3A_234 = %scan3A_170 to %scan3A_172 step %scan3A_173 iter_args(%scan3A_235 = %broadcast_in_dim3A_167, %scan3A_236 = %broadcast_in_dim3A_167, %scan3A_237 = %broadcast_in_dim3A_167, %scan3A_238 = %broadcast_in_dim3A_167, %scan3A_239 = %broadcast_in_dim3A_169, %scan3A_240 = %broadcast_in_dim3A_169, %scan3A_241 = %broadcast_in_dim3A_169, %scan3A_242 = %broadcast_in_dim3A_169) -> (vector<16xf32>, vector<16xf32>, vector<16xf32>, vector<16xf32>, vector<16xf32>, vector<16xf32>, vector<16xf32>, vector<16xf32>)  : i32 {
        %get3A = arith.index_cast %scan3A_234 : i32 to index
        %get3A_243 = arith.constant 0 : index
        %get3A_244 = tpu.vector_load %arg11[%get3A, %get3A_243] {strides = array<i32>} : memref<112x64xf32, #tpu.memory_space<vmem>>, vector<1x16xf32>,
        %get3A_245 = vector.shape_cast %get3A_244 : vector<1x16xf32> to vector<16xf32>
        %max3A = arith.maximumf %scan3A_235, %get3A_245 : vector<16xf32>
        %add3A_246 = arith.addf %scan3A_239, %get3A_245 : vector<16xf32>
        %get3A_247 = arith.index_cast %scan3A_234 : i32 to index
        %get3A_248 = arith.constant 16 : index
        %get3A_249 = tpu.vector_load %arg11[%get3A_247, %get3A_248] {strides = array<i32>} : memref<112x64xf32, #tpu.memory_space<vmem>>, vector<1x16xf32>,
        %get3A_250 = vector.shape_cast %get3A_249 : vector<1x16xf32> to vector<16xf32>
        %max3A_251 = arith.maximumf %scan3A_236, %get3A_250 : vector<16xf32>
        %add3A_252 = arith.addf %scan3A_240, %get3A_250 : vector<16xf32>
        %get3A_253 = arith.index_cast %scan3A_234 : i32 to index
        %get3A_254 = arith.constant 32 : index
        %get3A_255 = tpu.vector_load %arg11[%get3A_253, %get3A_254] {strides = array<i32>} : memref<112x64xf32, #tpu.memory_space<vmem>>, vector<1x16xf32>,
        %get3A_256 = vector.shape_cast %get3A_255 : vector<1x16xf32> to vector<16xf32>
        %max3A_257 = arith.maximumf %scan3A_237, %get3A_256 : vector<16xf32>
        %add3A_258 = arith.addf %scan3A_241, %get3A_256 : vector<16xf32>
        %get3A_259 = arith.index_cast %scan3A_234 : i32 to index
        %get3A_260 = arith.constant 48 : index
        %get3A_261 = tpu.vector_load %arg11[%get3A_259, %get3A_260] {strides = array<i32>} : memref<112x64xf32, #tpu.memory_space<vmem>>, vector<1x16xf32>,
        %get3A_262 = vector.shape_cast %get3A_261 : vector<1x16xf32> to vector<16xf32>
        %max3A_263 = arith.maximumf %scan3A_238, %get3A_262 : vector<16xf32>
        %add3A_264 = arith.addf %scan3A_242, %get3A_262 : vector<16xf32>
        %scan3A_265 = arith.constant 1 : i32
        %scan3A_266 = arith.addi %scan3A_234, %scan3A_265 : i32
        %get3A_267 = arith.index_cast %scan3A_266 : i32 to index
        %get3A_268 = arith.constant 0 : index
        %get3A_269 = tpu.vector_load %arg11[%get3A_267, %get3A_268] {strides = array<i32>} : memref<112x64xf32, #tpu.memory_space<vmem>>, vector<1x16xf32>,
        %get3A_270 = vector.shape_cast %get3A_269 : vector<1x16xf32> to vector<16xf32>
        %max3A_271 = arith.maximumf %max3A, %get3A_270 : vector<16xf32>
        %add3A_272 = arith.addf %add3A_246, %get3A_270 : vector<16xf32>
        %get3A_273 = arith.index_cast %scan3A_266 : i32 to index
        %get3A_274 = arith.constant 16 : index
        %get3A_275 = tpu.vector_load %arg11[%get3A_273, %get3A_274] {strides = array<i32>} : memref<112x64xf32, #tpu.memory_space<vmem>>, vector<1x16xf32>,
        %get3A_276 = vector.shape_cast %get3A_275 : vector<1x16xf32> to vector<16xf32>
        %max3A_277 = arith.maximumf %max3A_251, %get3A_276 : vector<16xf32>
        %add3A_278 = arith.addf %add3A_252, %get3A_276 : vector<16xf32>
        %get3A_279 = arith.index_cast %scan3A_266 : i32 to index
        %get3A_280 = arith.constant 32 : index
        %get3A_281 = tpu.vector_load %arg11[%get3A_279, %get3A_280] {strides = array<i32>} : memref<112x64xf32, #tpu.memory_space<vmem>>, vector<1x16xf32>,
        %get3A_282 = vector.shape_cast %get3A_281 : vector<1x16xf32> to vector<16xf32>
        %max3A_283 = arith.maximumf %max3A_257, %get3A_282 : vector<16xf32>
        %add3A_284 = arith.addf %add3A_258, %get3A_282 : vector<16xf32>
        %get3A_285 = arith.index_cast %scan3A_266 : i32 to index
        %get3A_286 = arith.constant 48 : index
        %get3A_287 = tpu.vector_load %arg11[%get3A_285, %get3A_286] {strides = array<i32>} : memref<112x64xf32, #tpu.memory_space<vmem>>, vector<1x16xf32>,
        %get3A_288 = vector.shape_cast %get3A_287 : vector<1x16xf32> to vector<16xf32>
        %max3A_289 = arith.maximumf %max3A_263, %get3A_288 : vector<16xf32>
        %add3A_290 = arith.addf %add3A_264, %get3A_288 : vector<16xf32>
        %scan3A_291 = arith.constant 2 : i32
        %scan3A_292 = arith.addi %scan3A_234, %scan3A_291 : i32
        %get3A_293 = arith.index_cast %scan3A_292 : i32 to index
        %get3A_294 = arith.constant 0 : index
        %get3A_295 = tpu.vector_load %arg11[%get3A_293, %get3A_294] {strides = array<i32>} : memref<112x64xf32, #tpu.memory_space<vmem>>, vector<1x16xf32>,
        %get3A_296 = vector.shape_cast %get3A_295 : vector<1x16xf32> to vector<16xf32>
        %max3A_297 = arith.maximumf %max3A_271, %get3A_296 : vector<16xf32>
        %add3A_298 = arith.addf %add3A_272, %get3A_296 : vector<16xf32>
        %get3A_299 = arith.index_cast %scan3A_292 : i32 to index
        %get3A_300 = arith.constant 16 : index
        %get3A_301 = tpu.vector_load %arg11[%get3A_299, %get3A_300] {strides = array<i32>} : memref<112x64xf32, #tpu.memory_space<vmem>>, vector<1x16xf32>,
        %get3A_302 = vector.shape_cast %get3A_301 : vector<1x16xf32> to vector<16xf32>
        %max3A_303 = arith.maximumf %max3A_277, %get3A_302 : vector<16xf32>
        %add3A_304 = arith.addf %add3A_278, %get3A_302 : vector<16xf32>
        %get3A_305 = arith.index_cast %scan3A_292 : i32 to index
        %get3A_306 = arith.constant 32 : index
        %get3A_307 = tpu.vector_load %arg11[%get3A_305, %get3A_306] {strides = array<i32>} : memref<112x64xf32, #tpu.memory_space<vmem>>, vector<1x16xf32>,
        %get3A_308 = vector.shape_cast %get3A_307 : vector<1x16xf32> to vector<16xf32>
        %max3A_309 = arith.maximumf %max3A_283, %get3A_308 : vector<16xf32>
        %add3A_310 = arith.addf %add3A_284, %get3A_308 : vector<16xf32>
        %get3A_311 = arith.index_cast %scan3A_292 : i32 to index
        %get3A_312 = arith.constant 48 : index
        %get3A_313 = tpu.vector_load %arg11[%get3A_311, %get3A_312] {strides = array<i32>} : memref<112x64xf32, #tpu.memory_space<vmem>>, vector<1x16xf32>,
        %get3A_314 = vector.shape_cast %get3A_313 : vector<1x16xf32> to vector<16xf32>
        %max3A_315 = arith.maximumf %max3A_289, %get3A_314 : vector<16xf32>
        %add3A_316 = arith.addf %add3A_290, %get3A_314 : vector<16xf32>
        %scan3A_317 = arith.constant 3 : i32
        %scan3A_318 = arith.addi %scan3A_234, %scan3A_317 : i32
        %get3A_319 = arith.index_cast %scan3A_318 : i32 to index
        %get3A_320 = arith.constant 0 : index
        %get3A_321 = tpu.vector_load %arg11[%get3A_319, %get3A_320] {strides = array<i32>} : memref<112x64xf32, #tpu.memory_space<vmem>>, vector<1x16xf32>,
        %get3A_322 = vector.shape_cast %get3A_321 : vector<1x16xf32> to vector<16xf32>
        %max3A_323 = arith.maximumf %max3A_297, %get3A_322 : vector<16xf32>
        %add3A_324 = arith.addf %add3A_298, %get3A_322 : vector<16xf32>
        %get3A_325 = arith.index_cast %scan3A_318 : i32 to index
        %get3A_326 = arith.constant 16 : index
        %get3A_327 = tpu.vector_load %arg11[%get3A_325, %get3A_326] {strides = array<i32>} : memref<112x64xf32, #tpu.memory_space<vmem>>, vector<1x16xf32>,
        %get3A_328 = vector.shape_cast %get3A_327 : vector<1x16xf32> to vector<16xf32>
        %max3A_329 = arith.maximumf %max3A_303, %get3A_328 : vector<16xf32>
        %add3A_330 = arith.addf %add3A_304, %get3A_328 : vector<16xf32>
        %get3A_331 = arith.index_cast %scan3A_318 : i32 to index
        %get3A_332 = arith.constant 32 : index
        %get3A_333 = tpu.vector_load %arg11[%get3A_331, %get3A_332] {strides = array<i32>} : memref<112x64xf32, #tpu.memory_space<vmem>>, vector<1x16xf32>,
        %get3A_334 = vector.shape_cast %get3A_333 : vector<1x16xf32> to vector<16xf32>
        %max3A_335 = arith.maximumf %max3A_309, %get3A_334 : vector<16xf32>
        %add3A_336 = arith.addf %add3A_310, %get3A_334 : vector<16xf32>
        %get3A_337 = arith.index_cast %scan3A_318 : i32 to index
        %get3A_338 = arith.constant 48 : index
        %get3A_339 = tpu.vector_load %arg11[%get3A_337, %get3A_338] {strides = array<i32>} : memref<112x64xf32, #tpu.memory_space<vmem>>, vector<1x16xf32>,
        %get3A_340 = vector.shape_cast %get3A_339 : vector<1x16xf32> to vector<16xf32>
        %max3A_341 = arith.maximumf %max3A_315, %get3A_340 : vector<16xf32>
        %add3A_342 = arith.addf %add3A_316, %get3A_340 : vector<16xf32>
        %scan3A_343 = arith.constant 4 : i32
        %scan3A_344 = arith.addi %scan3A_234, %scan3A_343 : i32
        %get3A_345 = arith.index_cast %scan3A_344 : i32 to index
        %get3A_346 = arith.constant 0 : index
        %get3A_347 = tpu.vector_load %arg11[%get3A_345, %get3A_346] {strides = array<i32>} : memref<112x64xf32, #tpu.memory_space<vmem>>, vector<1x16xf32>,
        %get3A_348 = vector.shape_cast %get3A_347 : vector<1x16xf32> to vector<16xf32>
        %max3A_349 = arith.maximumf %max3A_323, %get3A_348 : vector<16xf32>
        %add3A_350 = arith.addf %add3A_324, %get3A_348 : vector<16xf32>
        %get3A_351 = arith.index_cast %scan3A_344 : i32 to index
        %get3A_352 = arith.constant 16 : index
        %get3A_353 = tpu.vector_load %arg11[%get3A_351, %get3A_352] {strides = array<i32>} : memref<112x64xf32, #tpu.memory_space<vmem>>, vector<1x16xf32>,
        %get3A_354 = vector.shape_cast %get3A_353 : vector<1x16xf32> to vector<16xf32>
        %max3A_355 = arith.maximumf %max3A_329, %get3A_354 : vector<16xf32>
        %add3A_356 = arith.addf %add3A_330, %get3A_354 : vector<16xf32>
        %get3A_357 = arith.index_cast %scan3A_344 : i32 to index
        %get3A_358 = arith.constant 32 : index
        %get3A_359 = tpu.vector_load %arg11[%get3A_357, %get3A_358] {strides = array<i32>} : memref<112x64xf32, #tpu.memory_space<vmem>>, vector<1x16xf32>,
        %get3A_360 = vector.shape_cast %get3A_359 : vector<1x16xf32> to vector<16xf32>
        %max3A_361 = arith.maximumf %max3A_335, %get3A_360 : vector<16xf32>
        %add3A_362 = arith.addf %add3A_336, %get3A_360 : vector<16xf32>
        %get3A_363 = arith.index_cast %scan3A_344 : i32 to index
        %get3A_364 = arith.constant 48 : index
        %get3A_365 = tpu.vector_load %arg11[%get3A_363, %get3A_364] {strides = array<i32>} : memref<112x64xf32, #tpu.memory_space<vmem>>, vector<1x16xf32>,
        %get3A_366 = vector.shape_cast %get3A_365 : vector<1x16xf32> to vector<16xf32>
        %max3A_367 = arith.maximumf %max3A_341, %get3A_366 : vector<16xf32>
        %add3A_368 = arith.addf %add3A_342, %get3A_366 : vector<16xf32>
        %scan3A_369 = arith.constant 5 : i32
        %scan3A_370 = arith.addi %scan3A_234, %scan3A_369 : i32
        %get3A_371 = arith.index_cast %scan3A_370 : i32 to index
        %get3A_372 = arith.constant 0 : index
        %get3A_373 = tpu.vector_load %arg11[%get3A_371, %get3A_372] {strides = array<i32>} : memref<112x64xf32, #tpu.memory_space<vmem>>, vector<1x16xf32>,
        %get3A_374 = vector.shape_cast %get3A_373 : vector<1x16xf32> to vector<16xf32>
        %max3A_375 = arith.maximumf %max3A_349, %get3A_374 : vector<16xf32>
        %add3A_376 = arith.addf %add3A_350, %get3A_374 : vector<16xf32>
        %get3A_377 = arith.index_cast %scan3A_370 : i32 to index
        %get3A_378 = arith.constant 16 : index
        %get3A_379 = tpu.vector_load %arg11[%get3A_377, %get3A_378] {strides = array<i32>} : memref<112x64xf32, #tpu.memory_space<vmem>>, vector<1x16xf32>,
        %get3A_380 = vector.shape_cast %get3A_379 : vector<1x16xf32> to vector<16xf32>
        %max3A_381 = arith.maximumf %max3A_355, %get3A_380 : vector<16xf32>
        %add3A_382 = arith.addf %add3A_356, %get3A_380 : vector<16xf32>
        %get3A_383 = arith.index_cast %scan3A_370 : i32 to index
        %get3A_384 = arith.constant 32 : index
        %get3A_385 = tpu.vector_load %arg11[%get3A_383, %get3A_384] {strides = array<i32>} : memref<112x64xf32, #tpu.memory_space<vmem>>, vector<1x16xf32>,
        %get3A_386 = vector.shape_cast %get3A_385 : vector<1x16xf32> to vector<16xf32>
        %max3A_387 = arith.maximumf %max3A_361, %get3A_386 : vector<16xf32>
        %add3A_388 = arith.addf %add3A_362, %get3A_386 : vector<16xf32>
        %get3A_389 = arith.index_cast %scan3A_370 : i32 to index
        %get3A_390 = arith.constant 48 : index
        %get3A_391 = tpu.vector_load %arg11[%get3A_389, %get3A_390] {strides = array<i32>} : memref<112x64xf32, #tpu.memory_space<vmem>>, vector<1x16xf32>,
        %get3A_392 = vector.shape_cast %get3A_391 : vector<1x16xf32> to vector<16xf32>
        %max3A_393 = arith.maximumf %max3A_367, %get3A_392 : vector<16xf32>
        %add3A_394 = arith.addf %add3A_368, %get3A_392 : vector<16xf32>
        %scan3A_395 = arith.constant 6 : i32
        %scan3A_396 = arith.addi %scan3A_234, %scan3A_395 : i32
        %get3A_397 = arith.index_cast %scan3A_396 : i32 to index
        %get3A_398 = arith.constant 0 : index
        %get3A_399 = tpu.vector_load %arg11[%get3A_397, %get3A_398] {strides = array<i32>} : memref<112x64xf32, #tpu.memory_space<vmem>>, vector<1x16xf32>,
        %get3A_400 = vector.shape_cast %get3A_399 : vector<1x16xf32> to vector<16xf32>
        %max3A_401 = arith.maximumf %max3A_375, %get3A_400 : vector<16xf32>
        %add3A_402 = arith.addf %add3A_376, %get3A_400 : vector<16xf32>
        %get3A_403 = arith.index_cast %scan3A_396 : i32 to index
        %get3A_404 = arith.constant 16 : index
        %get3A_405 = tpu.vector_load %arg11[%get3A_403, %get3A_404] {strides = array<i32>} : memref<112x64xf32, #tpu.memory_space<vmem>>, vector<1x16xf32>,
        %get3A_406 = vector.shape_cast %get3A_405 : vector<1x16xf32> to vector<16xf32>
        %max3A_407 = arith.maximumf %max3A_381, %get3A_406 : vector<16xf32>
        %add3A_408 = arith.addf %add3A_382, %get3A_406 : vector<16xf32>
        %get3A_409 = arith.index_cast %scan3A_396 : i32 to index
        %get3A_410 = arith.constant 32 : index
        %get3A_411 = tpu.vector_load %arg11[%get3A_409, %get3A_410] {strides = array<i32>} : memref<112x64xf32, #tpu.memory_space<vmem>>, vector<1x16xf32>,
        %get3A_412 = vector.shape_cast %get3A_411 : vector<1x16xf32> to vector<16xf32>
        %max3A_413 = arith.maximumf %max3A_387, %get3A_412 : vector<16xf32>
        %add3A_414 = arith.addf %add3A_388, %get3A_412 : vector<16xf32>
        %get3A_415 = arith.index_cast %scan3A_396 : i32 to index
        %get3A_416 = arith.constant 48 : index
        %get3A_417 = tpu.vector_load %arg11[%get3A_415, %get3A_416] {strides = array<i32>} : memref<112x64xf32, #tpu.memory_space<vmem>>, vector<1x16xf32>,
        %get3A_418 = vector.shape_cast %get3A_417 : vector<1x16xf32> to vector<16xf32>
        %max3A_419 = arith.maximumf %max3A_393, %get3A_418 : vector<16xf32>
        %add3A_420 = arith.addf %add3A_394, %get3A_418 : vector<16xf32>
        %scan3A_421 = arith.constant 7 : i32
        %scan3A_422 = arith.addi %scan3A_234, %scan3A_421 : i32
        %get3A_423 = arith.index_cast %scan3A_422 : i32 to index
        %get3A_424 = arith.constant 0 : index
        %get3A_425 = tpu.vector_load %arg11[%get3A_423, %get3A_424] {strides = array<i32>} : memref<112x64xf32, #tpu.memory_space<vmem>>, vector<1x16xf32>,
        %get3A_426 = vector.shape_cast %get3A_425 : vector<1x16xf32> to vector<16xf32>
        %max3A_427 = arith.maximumf %max3A_401, %get3A_426 : vector<16xf32>
        %add3A_428 = arith.addf %add3A_402, %get3A_426 : vector<16xf32>
        %get3A_429 = arith.index_cast %scan3A_422 : i32 to index
        %get3A_430 = arith.constant 16 : index
        %get3A_431 = tpu.vector_load %arg11[%get3A_429, %get3A_430] {strides = array<i32>} : memref<112x64xf32, #tpu.memory_space<vmem>>, vector<1x16xf32>,
        %get3A_432 = vector.shape_cast %get3A_431 : vector<1x16xf32> to vector<16xf32>
        %max3A_433 = arith.maximumf %max3A_407, %get3A_432 : vector<16xf32>
        %add3A_434 = arith.addf %add3A_408, %get3A_432 : vector<16xf32>
        %get3A_435 = arith.index_cast %scan3A_422 : i32 to index
        %get3A_436 = arith.constant 32 : index
        %get3A_437 = tpu.vector_load %arg11[%get3A_435, %get3A_436] {strides = array<i32>} : memref<112x64xf32, #tpu.memory_space<vmem>>, vector<1x16xf32>,
        %get3A_438 = vector.shape_cast %get3A_437 : vector<1x16xf32> to vector<16xf32>
        %max3A_439 = arith.maximumf %max3A_413, %get3A_438 : vector<16xf32>
        %add3A_440 = arith.addf %add3A_414, %get3A_438 : vector<16xf32>
        %get3A_441 = arith.index_cast %scan3A_422 : i32 to index
        %get3A_442 = arith.constant 48 : index
        %get3A_443 = tpu.vector_load %arg11[%get3A_441, %get3A_442] {strides = array<i32>} : memref<112x64xf32, #tpu.memory_space<vmem>>, vector<1x16xf32>,
        %get3A_444 = vector.shape_cast %get3A_443 : vector<1x16xf32> to vector<16xf32>
        %max3A_445 = arith.maximumf %max3A_419, %get3A_444 : vector<16xf32>
        %add3A_446 = arith.addf %add3A_420, %get3A_444 : vector<16xf32>
        scf.yield %max3A_427, %max3A_433, %max3A_439, %max3A_445, %add3A_428, %add3A_434, %add3A_440, %add3A_446 : vector<16xf32>, vector<16xf32>, vector<16xf32>, vector<16xf32>, vector<16xf32>, vector<16xf32>, vector<16xf32>, vector<16xf32>
      }
      %scan3A_175 = arith.constant 112 : i32
      %scan3A_176 = arith.constant 0 : i32
      %scan3A_177 = arith.constant 88 : i32
      %scan3A_178 = arith.addi %scan3A_176, %scan3A_177 : i32
      %scan3A_179 = arith.constant 8 : i32
      %scan3A_180:8 = scf.for %scan3A_234 = %scan3A_176 to %scan3A_178 step %scan3A_179 iter_args(%scan3A_235 = %scan3A_174#0, %scan3A_236 = %scan3A_174#1, %scan3A_237 = %scan3A_174#2, %scan3A_238 = %scan3A_174#3, %scan3A_239 = %scan3A_174#4, %scan3A_240 = %scan3A_174#5, %scan3A_241 = %scan3A_174#6, %scan3A_242 = %scan3A_174#7) -> (vector<16xf32>, vector<16xf32>, vector<16xf32>, vector<16xf32>, vector<16xf32>, vector<16xf32>, vector<16xf32>, vector<16xf32>)  : i32 {
        %get3A = arith.index_cast %scan3A_234 : i32 to index
        %get3A_243 = arith.constant 0 : index
        %get3A_244 = tpu.vector_load %arg12[%get3A, %get3A_243] {strides = array<i32>} : memref<88x64xf32, #tpu.memory_space<vmem>>, vector<1x16xf32>,
        %get3A_245 = vector.shape_cast %get3A_244 : vector<1x16xf32> to vector<16xf32>
        %max3A = arith.maximumf %scan3A_235, %get3A_245 : vector<16xf32>
        %add3A_246 = arith.addf %scan3A_239, %get3A_245 : vector<16xf32>
        %get3A_247 = arith.index_cast %scan3A_234 : i32 to index
        %get3A_248 = arith.constant 16 : index
        %get3A_249 = tpu.vector_load %arg12[%get3A_247, %get3A_248] {strides = array<i32>} : memref<88x64xf32, #tpu.memory_space<vmem>>, vector<1x16xf32>,
        %get3A_250 = vector.shape_cast %get3A_249 : vector<1x16xf32> to vector<16xf32>
        %max3A_251 = arith.maximumf %scan3A_236, %get3A_250 : vector<16xf32>
        %add3A_252 = arith.addf %scan3A_240, %get3A_250 : vector<16xf32>
        %get3A_253 = arith.index_cast %scan3A_234 : i32 to index
        %get3A_254 = arith.constant 32 : index
        %get3A_255 = tpu.vector_load %arg12[%get3A_253, %get3A_254] {strides = array<i32>} : memref<88x64xf32, #tpu.memory_space<vmem>>, vector<1x16xf32>,
        %get3A_256 = vector.shape_cast %get3A_255 : vector<1x16xf32> to vector<16xf32>
        %max3A_257 = arith.maximumf %scan3A_237, %get3A_256 : vector<16xf32>
        %add3A_258 = arith.addf %scan3A_241, %get3A_256 : vector<16xf32>
        %get3A_259 = arith.index_cast %scan3A_234 : i32 to index
        %get3A_260 = arith.constant 48 : index
        %get3A_261 = tpu.vector_load %arg12[%get3A_259, %get3A_260] {strides = array<i32>} : memref<88x64xf32, #tpu.memory_space<vmem>>, vector<1x16xf32>,
        %get3A_262 = vector.shape_cast %get3A_261 : vector<1x16xf32> to vector<16xf32>
        %max3A_263 = arith.maximumf %scan3A_238, %get3A_262 : vector<16xf32>
        %add3A_264 = arith.addf %scan3A_242, %get3A_262 : vector<16xf32>
        %scan3A_265 = arith.constant 1 : i32
        %scan3A_266 = arith.addi %scan3A_234, %scan3A_265 : i32
        %get3A_267 = arith.index_cast %scan3A_266 : i32 to index
        %get3A_268 = arith.constant 0 : index
        %get3A_269 = tpu.vector_load %arg12[%get3A_267, %get3A_268] {strides = array<i32>} : memref<88x64xf32, #tpu.memory_space<vmem>>, vector<1x16xf32>,
        %get3A_270 = vector.shape_cast %get3A_269 : vector<1x16xf32> to vector<16xf32>
        %max3A_271 = arith.maximumf %max3A, %get3A_270 : vector<16xf32>
        %add3A_272 = arith.addf %add3A_246, %get3A_270 : vector<16xf32>
        %get3A_273 = arith.index_cast %scan3A_266 : i32 to index
        %get3A_274 = arith.constant 16 : index
        %get3A_275 = tpu.vector_load %arg12[%get3A_273, %get3A_274] {strides = array<i32>} : memref<88x64xf32, #tpu.memory_space<vmem>>, vector<1x16xf32>,
        %get3A_276 = vector.shape_cast %get3A_275 : vector<1x16xf32> to vector<16xf32>
        %max3A_277 = arith.maximumf %max3A_251, %get3A_276 : vector<16xf32>
        %add3A_278 = arith.addf %add3A_252, %get3A_276 : vector<16xf32>
        %get3A_279 = arith.index_cast %scan3A_266 : i32 to index
        %get3A_280 = arith.constant 32 : index
        %get3A_281 = tpu.vector_load %arg12[%get3A_279, %get3A_280] {strides = array<i32>} : memref<88x64xf32, #tpu.memory_space<vmem>>, vector<1x16xf32>,
        %get3A_282 = vector.shape_cast %get3A_281 : vector<1x16xf32> to vector<16xf32>
        %max3A_283 = arith.maximumf %max3A_257, %get3A_282 : vector<16xf32>
        %add3A_284 = arith.addf %add3A_258, %get3A_282 : vector<16xf32>
        %get3A_285 = arith.index_cast %scan3A_266 : i32 to index
        %get3A_286 = arith.constant 48 : index
        %get3A_287 = tpu.vector_load %arg12[%get3A_285, %get3A_286] {strides = array<i32>} : memref<88x64xf32, #tpu.memory_space<vmem>>, vector<1x16xf32>,
        %get3A_288 = vector.shape_cast %get3A_287 : vector<1x16xf32> to vector<16xf32>
        %max3A_289 = arith.maximumf %max3A_263, %get3A_288 : vector<16xf32>
        %add3A_290 = arith.addf %add3A_264, %get3A_288 : vector<16xf32>
        %scan3A_291 = arith.constant 2 : i32
        %scan3A_292 = arith.addi %scan3A_234, %scan3A_291 : i32
        %get3A_293 = arith.index_cast %scan3A_292 : i32 to index
        %get3A_294 = arith.constant 0 : index
        %get3A_295 = tpu.vector_load %arg12[%get3A_293, %get3A_294] {strides = array<i32>} : memref<88x64xf32, #tpu.memory_space<vmem>>, vector<1x16xf32>,
        %get3A_296 = vector.shape_cast %get3A_295 : vector<1x16xf32> to vector<16xf32>
        %max3A_297 = arith.maximumf %max3A_271, %get3A_296 : vector<16xf32>
        %add3A_298 = arith.addf %add3A_272, %get3A_296 : vector<16xf32>
        %get3A_299 = arith.index_cast %scan3A_292 : i32 to index
        %get3A_300 = arith.constant 16 : index
        %get3A_301 = tpu.vector_load %arg12[%get3A_299, %get3A_300] {strides = array<i32>} : memref<88x64xf32, #tpu.memory_space<vmem>>, vector<1x16xf32>,
        %get3A_302 = vector.shape_cast %get3A_301 : vector<1x16xf32> to vector<16xf32>
        %max3A_303 = arith.maximumf %max3A_277, %get3A_302 : vector<16xf32>
        %add3A_304 = arith.addf %add3A_278, %get3A_302 : vector<16xf32>
        %get3A_305 = arith.index_cast %scan3A_292 : i32 to index
        %get3A_306 = arith.constant 32 : index
        %get3A_307 = tpu.vector_load %arg12[%get3A_305, %get3A_306] {strides = array<i32>} : memref<88x64xf32, #tpu.memory_space<vmem>>, vector<1x16xf32>,
        %get3A_308 = vector.shape_cast %get3A_307 : vector<1x16xf32> to vector<16xf32>
        %max3A_309 = arith.maximumf %max3A_283, %get3A_308 : vector<16xf32>
        %add3A_310 = arith.addf %add3A_284, %get3A_308 : vector<16xf32>
        %get3A_311 = arith.index_cast %scan3A_292 : i32 to index
        %get3A_312 = arith.constant 48 : index
        %get3A_313 = tpu.vector_load %arg12[%get3A_311, %get3A_312] {strides = array<i32>} : memref<88x64xf32, #tpu.memory_space<vmem>>, vector<1x16xf32>,
        %get3A_314 = vector.shape_cast %get3A_313 : vector<1x16xf32> to vector<16xf32>
        %max3A_315 = arith.maximumf %max3A_289, %get3A_314 : vector<16xf32>
        %add3A_316 = arith.addf %add3A_290, %get3A_314 : vector<16xf32>
        %scan3A_317 = arith.constant 3 : i32
        %scan3A_318 = arith.addi %scan3A_234, %scan3A_317 : i32
        %get3A_319 = arith.index_cast %scan3A_318 : i32 to index
        %get3A_320 = arith.constant 0 : index
        %get3A_321 = tpu.vector_load %arg12[%get3A_319, %get3A_320] {strides = array<i32>} : memref<88x64xf32, #tpu.memory_space<vmem>>, vector<1x16xf32>,
        %get3A_322 = vector.shape_cast %get3A_321 : vector<1x16xf32> to vector<16xf32>
        %max3A_323 = arith.maximumf %max3A_297, %get3A_322 : vector<16xf32>
        %add3A_324 = arith.addf %add3A_298, %get3A_322 : vector<16xf32>
        %get3A_325 = arith.index_cast %scan3A_318 : i32 to index
        %get3A_326 = arith.constant 16 : index
        %get3A_327 = tpu.vector_load %arg12[%get3A_325, %get3A_326] {strides = array<i32>} : memref<88x64xf32, #tpu.memory_space<vmem>>, vector<1x16xf32>,
        %get3A_328 = vector.shape_cast %get3A_327 : vector<1x16xf32> to vector<16xf32>
        %max3A_329 = arith.maximumf %max3A_303, %get3A_328 : vector<16xf32>
        %add3A_330 = arith.addf %add3A_304, %get3A_328 : vector<16xf32>
        %get3A_331 = arith.index_cast %scan3A_318 : i32 to index
        %get3A_332 = arith.constant 32 : index
        %get3A_333 = tpu.vector_load %arg12[%get3A_331, %get3A_332] {strides = array<i32>} : memref<88x64xf32, #tpu.memory_space<vmem>>, vector<1x16xf32>,
        %get3A_334 = vector.shape_cast %get3A_333 : vector<1x16xf32> to vector<16xf32>
        %max3A_335 = arith.maximumf %max3A_309, %get3A_334 : vector<16xf32>
        %add3A_336 = arith.addf %add3A_310, %get3A_334 : vector<16xf32>
        %get3A_337 = arith.index_cast %scan3A_318 : i32 to index
        %get3A_338 = arith.constant 48 : index
        %get3A_339 = tpu.vector_load %arg12[%get3A_337, %get3A_338] {strides = array<i32>} : memref<88x64xf32, #tpu.memory_space<vmem>>, vector<1x16xf32>,
        %get3A_340 = vector.shape_cast %get3A_339 : vector<1x16xf32> to vector<16xf32>
        %max3A_341 = arith.maximumf %max3A_315, %get3A_340 : vector<16xf32>
        %add3A_342 = arith.addf %add3A_316, %get3A_340 : vector<16xf32>
        %scan3A_343 = arith.constant 4 : i32
        %scan3A_344 = arith.addi %scan3A_234, %scan3A_343 : i32
        %get3A_345 = arith.index_cast %scan3A_344 : i32 to index
        %get3A_346 = arith.constant 0 : index
        %get3A_347 = tpu.vector_load %arg12[%get3A_345, %get3A_346] {strides = array<i32>} : memref<88x64xf32, #tpu.memory_space<vmem>>, vector<1x16xf32>,
        %get3A_348 = vector.shape_cast %get3A_347 : vector<1x16xf32> to vector<16xf32>
        %max3A_349 = arith.maximumf %max3A_323, %get3A_348 : vector<16xf32>
        %add3A_350 = arith.addf %add3A_324, %get3A_348 : vector<16xf32>
        %get3A_351 = arith.index_cast %scan3A_344 : i32 to index
        %get3A_352 = arith.constant 16 : index
        %get3A_353 = tpu.vector_load %arg12[%get3A_351, %get3A_352] {strides = array<i32>} : memref<88x64xf32, #tpu.memory_space<vmem>>, vector<1x16xf32>,
        %get3A_354 = vector.shape_cast %get3A_353 : vector<1x16xf32> to vector<16xf32>
        %max3A_355 = arith.maximumf %max3A_329, %get3A_354 : vector<16xf32>
        %add3A_356 = arith.addf %add3A_330, %get3A_354 : vector<16xf32>
        %get3A_357 = arith.index_cast %scan3A_344 : i32 to index
        %get3A_358 = arith.constant 32 : index
        %get3A_359 = tpu.vector_load %arg12[%get3A_357, %get3A_358] {strides = array<i32>} : memref<88x64xf32, #tpu.memory_space<vmem>>, vector<1x16xf32>,
        %get3A_360 = vector.shape_cast %get3A_359 : vector<1x16xf32> to vector<16xf32>
        %max3A_361 = arith.maximumf %max3A_335, %get3A_360 : vector<16xf32>
        %add3A_362 = arith.addf %add3A_336, %get3A_360 : vector<16xf32>
        %get3A_363 = arith.index_cast %scan3A_344 : i32 to index
        %get3A_364 = arith.constant 48 : index
        %get3A_365 = tpu.vector_load %arg12[%get3A_363, %get3A_364] {strides = array<i32>} : memref<88x64xf32, #tpu.memory_space<vmem>>, vector<1x16xf32>,
        %get3A_366 = vector.shape_cast %get3A_365 : vector<1x16xf32> to vector<16xf32>
        %max3A_367 = arith.maximumf %max3A_341, %get3A_366 : vector<16xf32>
        %add3A_368 = arith.addf %add3A_342, %get3A_366 : vector<16xf32>
        %scan3A_369 = arith.constant 5 : i32
        %scan3A_370 = arith.addi %scan3A_234, %scan3A_369 : i32
        %get3A_371 = arith.index_cast %scan3A_370 : i32 to index
        %get3A_372 = arith.constant 0 : index
        %get3A_373 = tpu.vector_load %arg12[%get3A_371, %get3A_372] {strides = array<i32>} : memref<88x64xf32, #tpu.memory_space<vmem>>, vector<1x16xf32>,
        %get3A_374 = vector.shape_cast %get3A_373 : vector<1x16xf32> to vector<16xf32>
        %max3A_375 = arith.maximumf %max3A_349, %get3A_374 : vector<16xf32>
        %add3A_376 = arith.addf %add3A_350, %get3A_374 : vector<16xf32>
        %get3A_377 = arith.index_cast %scan3A_370 : i32 to index
        %get3A_378 = arith.constant 16 : index
        %get3A_379 = tpu.vector_load %arg12[%get3A_377, %get3A_378] {strides = array<i32>} : memref<88x64xf32, #tpu.memory_space<vmem>>, vector<1x16xf32>,
        %get3A_380 = vector.shape_cast %get3A_379 : vector<1x16xf32> to vector<16xf32>
        %max3A_381 = arith.maximumf %max3A_355, %get3A_380 : vector<16xf32>
        %add3A_382 = arith.addf %add3A_356, %get3A_380 : vector<16xf32>
        %get3A_383 = arith.index_cast %scan3A_370 : i32 to index
        %get3A_384 = arith.constant 32 : index
        %get3A_385 = tpu.vector_load %arg12[%get3A_383, %get3A_384] {strides = array<i32>} : memref<88x64xf32, #tpu.memory_space<vmem>>, vector<1x16xf32>,
        %get3A_386 = vector.shape_cast %get3A_385 : vector<1x16xf32> to vector<16xf32>
        %max3A_387 = arith.maximumf %max3A_361, %get3A_386 : vector<16xf32>
        %add3A_388 = arith.addf %add3A_362, %get3A_386 : vector<16xf32>
        %get3A_389 = arith.index_cast %scan3A_370 : i32 to index
        %get3A_390 = arith.constant 48 : index
        %get3A_391 = tpu.vector_load %arg12[%get3A_389, %get3A_390] {strides = array<i32>} : memref<88x64xf32, #tpu.memory_space<vmem>>, vector<1x16xf32>,
        %get3A_392 = vector.shape_cast %get3A_391 : vector<1x16xf32> to vector<16xf32>
        %max3A_393 = arith.maximumf %max3A_367, %get3A_392 : vector<16xf32>
        %add3A_394 = arith.addf %add3A_368, %get3A_392 : vector<16xf32>
        %scan3A_395 = arith.constant 6 : i32
        %scan3A_396 = arith.addi %scan3A_234, %scan3A_395 : i32
        %get3A_397 = arith.index_cast %scan3A_396 : i32 to index
        %get3A_398 = arith.constant 0 : index
        %get3A_399 = tpu.vector_load %arg12[%get3A_397, %get3A_398] {strides = array<i32>} : memref<88x64xf32, #tpu.memory_space<vmem>>, vector<1x16xf32>,
        %get3A_400 = vector.shape_cast %get3A_399 : vector<1x16xf32> to vector<16xf32>
        %max3A_401 = arith.maximumf %max3A_375, %get3A_400 : vector<16xf32>
        %add3A_402 = arith.addf %add3A_376, %get3A_400 : vector<16xf32>
        %get3A_403 = arith.index_cast %scan3A_396 : i32 to index
        %get3A_404 = arith.constant 16 : index
        %get3A_405 = tpu.vector_load %arg12[%get3A_403, %get3A_404] {strides = array<i32>} : memref<88x64xf32, #tpu.memory_space<vmem>>, vector<1x16xf32>,
        %get3A_406 = vector.shape_cast %get3A_405 : vector<1x16xf32> to vector<16xf32>
        %max3A_407 = arith.maximumf %max3A_381, %get3A_406 : vector<16xf32>
        %add3A_408 = arith.addf %add3A_382, %get3A_406 : vector<16xf32>
        %get3A_409 = arith.index_cast %scan3A_396 : i32 to index
        %get3A_410 = arith.constant 32 : index
        %get3A_411 = tpu.vector_load %arg12[%get3A_409, %get3A_410] {strides = array<i32>} : memref<88x64xf32, #tpu.memory_space<vmem>>, vector<1x16xf32>,
        %get3A_412 = vector.shape_cast %get3A_411 : vector<1x16xf32> to vector<16xf32>
        %max3A_413 = arith.maximumf %max3A_387, %get3A_412 : vector<16xf32>
        %add3A_414 = arith.addf %add3A_388, %get3A_412 : vector<16xf32>
        %get3A_415 = arith.index_cast %scan3A_396 : i32 to index
        %get3A_416 = arith.constant 48 : index
        %get3A_417 = tpu.vector_load %arg12[%get3A_415, %get3A_416] {strides = array<i32>} : memref<88x64xf32, #tpu.memory_space<vmem>>, vector<1x16xf32>,
        %get3A_418 = vector.shape_cast %get3A_417 : vector<1x16xf32> to vector<16xf32>
        %max3A_419 = arith.maximumf %max3A_393, %get3A_418 : vector<16xf32>
        %add3A_420 = arith.addf %add3A_394, %get3A_418 : vector<16xf32>
        %scan3A_421 = arith.constant 7 : i32
        %scan3A_422 = arith.addi %scan3A_234, %scan3A_421 : i32
        %get3A_423 = arith.index_cast %scan3A_422 : i32 to index
        %get3A_424 = arith.constant 0 : index
        %get3A_425 = tpu.vector_load %arg12[%get3A_423, %get3A_424] {strides = array<i32>} : memref<88x64xf32, #tpu.memory_space<vmem>>, vector<1x16xf32>,
        %get3A_426 = vector.shape_cast %get3A_425 : vector<1x16xf32> to vector<16xf32>
        %max3A_427 = arith.maximumf %max3A_401, %get3A_426 : vector<16xf32>
        %add3A_428 = arith.addf %add3A_402, %get3A_426 : vector<16xf32>
        %get3A_429 = arith.index_cast %scan3A_422 : i32 to index
        %get3A_430 = arith.constant 16 : index
        %get3A_431 = tpu.vector_load %arg12[%get3A_429, %get3A_430] {strides = array<i32>} : memref<88x64xf32, #tpu.memory_space<vmem>>, vector<1x16xf32>,
        %get3A_432 = vector.shape_cast %get3A_431 : vector<1x16xf32> to vector<16xf32>
        %max3A_433 = arith.maximumf %max3A_407, %get3A_432 : vector<16xf32>
        %add3A_434 = arith.addf %add3A_408, %get3A_432 : vector<16xf32>
        %get3A_435 = arith.index_cast %scan3A_422 : i32 to index
        %get3A_436 = arith.constant 32 : index
        %get3A_437 = tpu.vector_load %arg12[%get3A_435, %get3A_436] {strides = array<i32>} : memref<88x64xf32, #tpu.memory_space<vmem>>, vector<1x16xf32>,
        %get3A_438 = vector.shape_cast %get3A_437 : vector<1x16xf32> to vector<16xf32>
        %max3A_439 = arith.maximumf %max3A_413, %get3A_438 : vector<16xf32>
        %add3A_440 = arith.addf %add3A_414, %get3A_438 : vector<16xf32>
        %get3A_441 = arith.index_cast %scan3A_422 : i32 to index
        %get3A_442 = arith.constant 48 : index
        %get3A_443 = tpu.vector_load %arg12[%get3A_441, %get3A_442] {strides = array<i32>} : memref<88x64xf32, #tpu.memory_space<vmem>>, vector<1x16xf32>,
        %get3A_444 = vector.shape_cast %get3A_443 : vector<1x16xf32> to vector<16xf32>
        %max3A_445 = arith.maximumf %max3A_419, %get3A_444 : vector<16xf32>
        %add3A_446 = arith.addf %add3A_420, %get3A_444 : vector<16xf32>
        scf.yield %max3A_427, %max3A_433, %max3A_439, %max3A_445, %add3A_428, %add3A_434, %add3A_440, %add3A_446 : vector<16xf32>, vector<16xf32>, vector<16xf32>, vector<16xf32>, vector<16xf32>, vector<16xf32>, vector<16xf32>, vector<16xf32>
      }
      %scan3A_181 = arith.constant 88 : i32
      %swap3A_182 = arith.index_cast %add3A_145 : i32 to index
      %swap3A_183 = arith.constant 0 : index
      %swap3A_184 = tpu.vector_load %arg13[%swap3A_182, %swap3A_183] {strides = array<i32>} : memref<128x128xf32, #tpu.memory_space<vmem>>, vector<1x16xf32>,
      %swap3A_185 = vector.shape_cast %swap3A_184 : vector<1x16xf32> to vector<16xf32>
      %swap3A_186 = vector.shape_cast %scan3A_180#0 : vector<16xf32> to vector<1x16xf32>
      tpu.vector_store %arg13[%swap3A_182, %swap3A_183], %swap3A_186 {strides = array<i32>} : memref<128x128xf32, #tpu.memory_space<vmem>>, vector<1x16xf32>,
      %mul3A_187 = arith.constant 5.000000e-03 : f32
      %mul3A_188 = vector.broadcast %mul3A_187 : f32 to vector<16xf32>
      %mul3A_189 = arith.mulf %scan3A_180#4, %mul3A_188 : vector<16xf32>
      %swap3A_190 = arith.index_cast %add3A_145 : i32 to index
      %swap3A_191 = arith.constant 64 : index
      %swap3A_192 = tpu.vector_load %arg13[%swap3A_190, %swap3A_191] {strides = array<i32>} : memref<128x128xf32, #tpu.memory_space<vmem>>, vector<1x16xf32>,
      %swap3A_193 = vector.shape_cast %swap3A_192 : vector<1x16xf32> to vector<16xf32>
      %swap3A_194 = vector.shape_cast %mul3A_189 : vector<16xf32> to vector<1x16xf32>
      tpu.vector_store %arg13[%swap3A_190, %swap3A_191], %swap3A_194 {strides = array<i32>} : memref<128x128xf32, #tpu.memory_space<vmem>>, vector<1x16xf32>,
      %swap3A_195 = arith.index_cast %add3A_145 : i32 to index
      %swap3A_196 = arith.constant 16 : index
      %swap3A_197 = tpu.vector_load %arg13[%swap3A_195, %swap3A_196] {strides = array<i32>} : memref<128x128xf32, #tpu.memory_space<vmem>>, vector<1x16xf32>,
      %swap3A_198 = vector.shape_cast %swap3A_197 : vector<1x16xf32> to vector<16xf32>
      %swap3A_199 = vector.shape_cast %scan3A_180#1 : vector<16xf32> to vector<1x16xf32>
      tpu.vector_store %arg13[%swap3A_195, %swap3A_196], %swap3A_199 {strides = array<i32>} : memref<128x128xf32, #tpu.memory_space<vmem>>, vector<1x16xf32>,
      %mul3A_200 = arith.constant 5.000000e-03 : f32
      %mul3A_201 = vector.broadcast %mul3A_200 : f32 to vector<16xf32>
      %mul3A_202 = arith.mulf %scan3A_180#5, %mul3A_201 : vector<16xf32>
      %swap3A_203 = arith.index_cast %add3A_145 : i32 to index
      %swap3A_204 = arith.constant 80 : index
      %swap3A_205 = tpu.vector_load %arg13[%swap3A_203, %swap3A_204] {strides = array<i32>} : memref<128x128xf32, #tpu.memory_space<vmem>>, vector<1x16xf32>,
      %swap3A_206 = vector.shape_cast %swap3A_205 : vector<1x16xf32> to vector<16xf32>
      %swap3A_207 = vector.shape_cast %mul3A_202 : vector<16xf32> to vector<1x16xf32>
      tpu.vector_store %arg13[%swap3A_203, %swap3A_204], %swap3A_207 {strides = array<i32>} : memref<128x128xf32, #tpu.memory_space<vmem>>, vector<1x16xf32>,
      %swap3A_208 = arith.index_cast %add3A_145 : i32 to index
      %swap3A_209 = arith.constant 32 : index
      %swap3A_210 = tpu.vector_load %arg13[%swap3A_208, %swap3A_209] {strides = array<i32>} : memref<128x128xf32, #tpu.memory_space<vmem>>, vector<1x16xf32>,
      %swap3A_211 = vector.shape_cast %swap3A_210 : vector<1x16xf32> to vector<16xf32>
      %swap3A_212 = vector.shape_cast %scan3A_180#2 : vector<16xf32> to vector<1x16xf32>
      tpu.vector_store %arg13[%swap3A_208, %swap3A_209], %swap3A_212 {strides = array<i32>} : memref<128x128xf32, #tpu.memory_space<vmem>>, vector<1x16xf32>,
      %mul3A_213 = arith.constant 5.000000e-03 : f32
      %mul3A_214 = vector.broadcast %mul3A_213 : f32 to vector<16xf32>
      %mul3A_215 = arith.mulf %scan3A_180#6, %mul3A_214 : vector<16xf32>
      %swap3A_216 = arith.index_cast %add3A_145 : i32 to index
      %swap3A_217 = arith.constant 96 : index
      %swap3A_218 = tpu.vector_load %arg13[%swap3A_216, %swap3A_217] {strides = array<i32>} : memref<128x128xf32, #tpu.memory_space<vmem>>, vector<1x16xf32>,
      %swap3A_219 = vector.shape_cast %swap3A_218 : vector<1x16xf32> to vector<16xf32>
      %swap3A_220 = vector.shape_cast %mul3A_215 : vector<16xf32> to vector<1x16xf32>
      tpu.vector_store %arg13[%swap3A_216, %swap3A_217], %swap3A_220 {strides = array<i32>} : memref<128x128xf32, #tpu.memory_space<vmem>>, vector<1x16xf32>,
      %swap3A_221 = arith.index_cast %add3A_145 : i32 to index
      %swap3A_222 = arith.constant 48 : index
      %swap3A_223 = tpu.vector_load %arg13[%swap3A_221, %swap3A_222] {strides = array<i32>} : memref<128x128xf32, #tpu.memory_space<vmem>>, vector<1x16xf32>,
      %swap3A_224 = vector.shape_cast %swap3A_223 : vector<1x16xf32> to vector<16xf32>
      %swap3A_225 = vector.shape_cast %scan3A_180#3 : vector<16xf32> to vector<1x16xf32>
      tpu.vector_store %arg13[%swap3A_221, %swap3A_222], %swap3A_225 {strides = array<i32>} : memref<128x128xf32, #tpu.memory_space<vmem>>, vector<1x16xf32>,
      %mul3A_226 = arith.constant 5.000000e-03 : f32
      %mul3A_227 = vector.broadcast %mul3A_226 : f32 to vector<16xf32>
      %mul3A_228 = arith.mulf %scan3A_180#7, %mul3A_227 : vector<16xf32>
      %swap3A_229 = arith.index_cast %add3A_145 : i32 to index
      %swap3A_230 = arith.constant 112 : index
      %swap3A_231 = tpu.vector_load %arg13[%swap3A_229, %swap3A_230] {strides = array<i32>} : memref<128x128xf32, #tpu.memory_space<vmem>>, vector<1x16xf32>,
      %swap3A_232 = vector.shape_cast %swap3A_231 : vector<1x16xf32> to vector<16xf32>
      %swap3A_233 = vector.shape_cast %mul3A_228 : vector<16xf32> to vector<1x16xf32>
      tpu.vector_store %arg13[%swap3A_229, %swap3A_230], %swap3A_233 {strides = array<i32>} : memref<128x128xf32, #tpu.memory_space<vmem>>, vector<1x16xf32>,
    }
    %scan3A_53 = arith.constant 64 : i32
    "tpu.region"() ({
      %run_scoped3A = tpu.sem_alloc : memref<!tpu.dma_semaphore, #tpu.memory_space<semaphore_mem>>
      %dma_start3A_54 = arith.constant 0 : i32
      %dma_start3A_55 = tpu.memref_slice %arg4[%mul3A_2, %dma_start3A_54] : memref<4096x128xf32, #tpu.memory_space<hbm>> -> memref<128x128xf32, #tpu.memory_space<hbm>>
      %dma_start3A_56 = arith.constant 0 : i32
      %dma_start3A_57 = tpu.memref_slice %arg4[%mul3A_2, %dma_start3A_56] : memref<4096x128xf32, #tpu.memory_space<hbm>> -> memref<128x128xf32, #tpu.memory_space<hbm>>
      tpu.enqueue_dma source(%arg13 : memref<128x128xf32, #tpu.memory_space<vmem>>) target(%dma_start3A_57 : memref<128x128xf32, #tpu.memory_space<hbm>>) target_semaphore(%run_scoped3A : memref<!tpu.dma_semaphore, #tpu.memory_space<semaphore_mem>>)
      %dma_wait3A_58 = arith.constant 0 : i32
      %dma_wait3A_59 = tpu.memref_slice %arg4[%mul3A_2, %dma_wait3A_58] : memref<4096x128xf32, #tpu.memory_space<hbm>> -> memref<128x128xf32, #tpu.memory_space<hbm>>
      %dma_wait3A_60 = arith.constant 0 : i32
      %dma_wait3A_61 = tpu.memref_slice %arg4[%mul3A_2, %dma_wait3A_60] : memref<4096x128xf32, #tpu.memory_space<hbm>> -> memref<128x128xf32, #tpu.memory_space<hbm>>
      tpu.wait_dma2 semaphore(%run_scoped3A : memref<!tpu.dma_semaphore, #tpu.memory_space<semaphore_mem>>) src(%arg13 : memref<128x128xf32, #tpu.memory_space<vmem>>) dst(%dma_wait3A_61 : memref<128x128xf32, #tpu.memory_space<hbm>>)
      tpu.yield
    }) : () -> ()
    return
  }
}

</mosaic_0001>

<sc_bundles>
// kernel: kernel.3.cloned.1.call-start
scs
__scs_entry_jumppad:
0x0: {  	(pc) =	sbr.rel $0x88, $3  }
0x1: {  	(tag) =	ssettag $0x0;
	lr =	simm.s32 $0x1  }
0x2: {  	[smem:$0x3F9F] =	sst lr;
	_ =	strace $0xD0000000  }
0x3: {  	_ = 	snop  }
0x4: {  	_ = 	snop  }
0x5: {  	_ = 	snop  }
0x6: {  	_ = 	snop  }
0x7: {  	_ = 	snop  }
__scs_overlays_trampoline_lowered:
0x8: {  	[smem:$0x3FAE] =	sst s0  }
0x9: {  	[smem:$0x3FAF] =	sst s1  }
0xa: {  	[smem:$0x3FB0] =	sst s2  }
0xb: {  	[smem:$0x3FB1] =	sst s3  }
0xc: {  	[smem:$0x3FB2] =	sst s4  }
0xd: {  	[smem:$0x3FB3] =	sst s5  }
0xe: {  	[smem:$0x3FB4] =	sst s6  }
0xf: {  	[smem:$0x3FB5] =	sst s7  }
0x10: {  	[smem:$0x3FB6] =	sst s8  }
0x11: {  	[smem:$0x3FB7] =	sst s9;
	s0 =	simm.s32 @!p0 $0x0  }
0x12: {  	s1 =	sld [smem:$0x3F9D];
	s0 =	simm.s32 @p0 $0x1  }
0x13: {  	[smem:$0x3FB8] =	sst s0;
	s0 =	simm.s32 @!p1 $0x0  }
0x14: {  	s2 =	sld [smem:$0x3F9C];
	s0 =	simm.s32 @p1 $0x1  }
0x15: {  	[smem:$0x3FB9] =	sst s0;
	s0 =	simm.s32 @!p2 $0x0  }
0x16: {  	s3 =	sld [smem:$0x3FDB];
	s0 =	simm.s32 @p2 $0x1  }
0x17: {  	s4 =	simm.s32 $0x1BF5;
	[smem:$0x3FBB] =	sst s0  }
0x18: {  	s0 =	sld [smem:$0x3F9E];
	_ =	swait.ge [sflag:s4], $0x0  }
0x19: {  	s7 =	sld [smem:$0x3F9F]  }
0x1a: {  	s8 =	sadd.s32 $0xFFFFE003, lr  }
0x1b: {  	s9 =	sadd.s32 $0xFFFFFEF7, lr;
	s5 =	simm.s32 $0xFFFFFFFF;
	p2 =	slt.u32 s8, $0xFFFFF086  }
0x1c: {  	p1 =	slt.u32 s9, $0xF7A;
	s5 =	simm.s32 @!p2 $0x0  }
0x1d: {  	s5 =	simm.s32 @p1 $0x1;
	p0 =	seq.s32 s7, s2  }
0x1e: {  	s7 =	smul.u32 @!p0 $0xF7A, s2;
	p2 =	seq.s32 @!p0 s5, $0x0  }
0x1f: {  	s9 =	smul.u32 $0xF7A, s1;
	s8 =	simm.s32 @!p0 $0x1BF5;
	p2 =	por !p2, p0  }
0x20: {  	[sflag:s8] =	ssyncset.s32 @!p0 $0xFFFFF086;
	s6 =	sadd.s32 @!p0 s3, s7;
	s7 =	simm.s32 @!p0 $0x108  }
0x21: {  	s3 =	sadd.s32 s3, s9;
	s6 =	sadd.s32 @!p0 $0x88, s6;
	s7 =	simm.s32 @p2 $0x1082  }
0x22: {  	[simem:s7], [sflag:s8] =	dma.local @!p0 [hbm:s6], $0xF7A  }
0x23: {  	s9 =	sor.u32 $0xD0000000, s2;
	s6 =	simm.s32 $0x108;
	_ =	swait.ge @!p0 [sflag:s8], $0x0  }
0x24: {  	s3 =	sadd.s32 $0x88, s3;
	s6 =	simm.s32 @!p1 $0x1082;
	[sflag:s4] =	ssyncset.s32 $0xFFFFF086  }
0x25: {  	[simem:s6], [sflag:s4] =	dma.local [hbm:s3], $0xF7A  }
0x26: {  	[smem:$0x3F9F] =	sst s1;
	(tag) =	ssettag s2;
	_ =	strace s9  }
0x27: {  	s1 =	sld [smem:$0x3FAF]  }
0x28: {  	s2 =	sld [smem:$0x3FB0]  }
0x29: {  	s4 =	sld [smem:$0x3FB2]  }
0x2a: {  	p0 =	seq.s32 s5, $0x0;
	s5 =	sld [smem:$0x3FB3]  }
0x2b: {  	s6 =	sld [smem:$0x3FB4]  }
0x2c: {  	s7 =	sld [smem:$0x3FB5]  }
0x2d: {  	s3 =	simm.s32 $0x108;
	s8 =	sld [smem:$0x3FB6]  }
0x2e: {  	s3 =	simm.s32 @!p0 $0x1082;
	s9 =	sld [smem:$0x3FB7]  }
0x2f: {  	lr =	sadd.s32 s0, s3;
	s0 =	sld [smem:$0x3FAE]  }
0x30: {  	s3 =	sld [smem:$0x3FB1]  }
0x31: {  	[smem:$0x3FBA] =	sst s10  }
0x32: {  	s10 =	sld [smem:$0x3FB8];
	_ =	sdelay $0x3  }
0x33: {  	p0 =	seq.s32 s10, $0x1;
	s10 =	sld [smem:$0x3FBA];
	_ =	sdelay $0x3  }
0x34: {  	[smem:$0x3FBA] =	sst s10  }
0x35: {  	s10 =	sld [smem:$0x3FB9];
	_ =	sdelay $0x3  }
0x36: {  	p1 =	seq.s32 s10, $0x1;
	s10 =	sld [smem:$0x3FBA];
	_ =	sdelay $0x3  }
0x37: {  	[smem:$0x3FBA] =	sst s10  }
0x38: {  	s10 =	sld [smem:$0x3FBB]  }
0x39: {  	_ = 	snop;
	(pc) =	sbr.ind lr, $3  }
0x3a: {  	_ = 	snop  }
0x3b: {  	_ = 	snop  }
0x3c: {  	p2 =	seq.s32 s10, $0x1;
	s10 =	sld [smem:$0x3FBA]  }
0x3d: {  	_ =	shalt  }
0x3e: {  	_ =	shalt  }
0x3f: {  	_ =	shalt  }
0x40: {  	_ =	shalt  }
0x41: {  	_ =	shalt  }
0x42: {  	_ =	shalt  }
0x43: {  	_ =	shalt  }
0x44: {  	_ =	shalt  }
0x45: {  	_ =	shalt  }
0x46: {  	_ =	shalt  }
0x47: {  	_ =	shalt  }
0x48: {  	_ =	shalt  }
0x49: {  	_ =	shalt  }
0x4a: {  	_ =	shalt  }
0x4b: {  	_ =	shalt  }
0x4c: {  	_ =	shalt  }
0x4d: {  	_ =	shalt  }
0x4e: {  	_ =	shalt  }
0x4f: {  	_ =	shalt  }
0x50: {  	_ =	shalt  }
0x51: {  	_ =	shalt  }
0x52: {  	_ =	shalt  }
0x53: {  	_ =	shalt  }
0x54: {  	_ =	shalt  }
0x55: {  	_ =	shalt  }
0x56: {  	_ =	shalt  }
0x57: {  	_ =	shalt  }
0x58: {  	_ =	shalt  }
0x59: {  	_ =	shalt  }
0x5a: {  	_ =	shalt  }
0x5b: {  	_ =	shalt  }
0x5c: {  	_ =	shalt  }
0x5d: {  	_ =	shalt  }
0x5e: {  	_ =	shalt  }
0x5f: {  	_ =	shalt  }
0x60: {  	_ =	shalt  }
0x61: {  	_ =	shalt  }
0x62: {  	_ =	shalt  }
0x63: {  	_ =	shalt  }
0x64: {  	_ =	shalt  }
0x65: {  	_ =	shalt  }
0x66: {  	_ =	shalt  }
0x67: {  	_ =	shalt  }
0x68: {  	_ =	shalt  }
0x69: {  	_ =	shalt  }
0x6a: {  	_ =	shalt  }
0x6b: {  	_ =	shalt  }
0x6c: {  	_ =	shalt  }
0x6d: {  	_ =	shalt  }
0x6e: {  	_ =	shalt  }
0x6f: {  	_ =	shalt  }
0x70: {  	_ =	shalt  }
0x71: {  	_ =	shalt  }
0x72: {  	_ =	shalt  }
0x73: {  	_ =	shalt  }
0x74: {  	_ =	shalt  }
0x75: {  	_ =	shalt  }
0x76: {  	_ =	shalt  }
0x77: {  	_ =	shalt  }
0x78: {  	_ =	shalt  }
0x79: {  	_ =	shalt  }
0x7a: {  	_ =	shalt  }
0x7b: {  	_ =	shalt  }
0x7c: {  	_ =	shalt  }
0x7d: {  	_ =	shalt  }
0x7e: {  	_ =	shalt  }
0x7f: {  	_ =	shalt  }
0x80: {  	_ =	shalt  }
0x81: {  	_ =	shalt  }
0x82: {  	_ =	shalt  }
0x83: {  	_ =	shalt  }
0x84: {  	_ =	shalt  }
0x85: {  	_ =	shalt  }
0x86: {  	_ =	shalt  }
0x87: {  	_ =	shalt  }
.Lfunc_end0:
.L_simem_size_0:
called_computation_lowered:
.L_overlay_start_0:
0x88: {  	s2 =	sld [smem:$0x3FD9]  }
0x89: {  	s3 =	sld [smem:$0x3FFE];
	_ =	sdelay $0x1  }
0x8a: {  	s1 =	srdreg.scid  }
0x8b: {  	s0 =	sand.u32 $0x1, s1  }
0x8c: {  	s17 =	sshll.u32 s0, $0xA;
	s2 =	sadd.s32 s3, s2  }
0x8d: {  	s2 =	sadd.s32 s2, s17  }
0x8e: {  	[smem:$0x3FC6] =	sst s2  }
0x8f: {  	_ = 	snop  }
0x90: {  	s2 =	sld [smem:$0x3FD0];
	(tm) =	ssettm $0x1  }
0x91: {  	s18 =	sld [smem:$0x3FFB];
	_ =	sdelay $0x3  }
0x92: {  	_ =	strace s18  }
0x93: {  	s3 =	sld [smem:$0x3FFC];
	_ =	sdelay $0x3  }
0x94: {  	_ =	strace s3  }
0x95: {  	s3 =	sld [smem:$0x3FFD];
	_ =	sdelay $0x3  }
0x96: {  	_ =	strace s3  }
0x97: {  	_ =	strace $0x8FFFFFFF  }
0x98: {  	s19 =	sld [smem:$0x3FDB];
	_ =	sdelay $0x1  }
0x99: {  	s4 =	simm.s32 $_scs_section_size  }
0x9a: {  	s5 =	simm.s32 $_size__tile_overlayer_lowered;
	s6 =	simm.s32 $_tile_overlayer_lowered  }
0x9b: {  	s22 =	simm.s32 $0x1BFF;
	s21 =	sshll.u32 s6, $0x1;
	s3 =	sadd.s32 s4, s19  }
0x9c: {  	s7 =	simm.s32 $0x0;
	s20 =	sshll.u32 s5, $0x1;
	s5 =	sadd.s32 s21, s3  }
0x9d: {  	[timem:s7], [sflag:s22] =	dma.local [hbm:s5], s20  }
0x9e: {  	_ =	swait.ge [sflag:s22], s20  }
0x9f: {  	s4 =	ssub.s32 $0x0, s20;
	[sflag:s22] =	ssyncset.done $0x0  }
0xa0: {  	[sflag:s22] =	ssyncadd.s32 s4;
	_ =	sdelay $0x1  }
0xa1: {  	s23 =	simm.s32 $0x1B8B  }
0xa2: {  	_ =	swait.ge [sflag:s23], $0x1  }
0xa3: {  	[sflag:s23] =	ssyncset.done $0x0  }
0xa4: {  	s25 =	simm.s32 $0x1B8E;
	s24 =	sld [smem:$0x3FFE];
	[sflag:s23] =	ssyncadd.s32 $0xFFFFFFFF  }
0xa5: {  	s26 =	simm.s32 $execute0_lowered;
	[smem:$0x3FD2] =	sst s25  }
0xa6: {  	s5 =	sshll.u32 s26, $0x1;
	_ =	strace $0x80000046;
	[dreg:$0x1] =	wrdreg $0xFFFFFFFF  }
0xa7: {  	s28 =	simm.s32 $_size_execute0_lowered;
	s3 =	sadd.s32 s3, s5;
	[dreg:$0x0] =	wrdreg $0x0  }
0xa8: {  	s5 =	sshll.u32 s28, $0x1;
	[dreg:$0x2] =	wrdreg s3  }
0xa9: {  	[dreg:$0x3] =	wrdreg s5  }
0xaa: {  	[dreg:$0x4] =	wrdreg $0xC0  }
0xab: {  	_ =	task [dreg:s7], $0x5FFFF  }
0xac: {  	[dreg:$0x1] =	wrdreg $0xFFFFFFFF  }
0xad: {  	[dreg:$0x0] =	wrdreg $0x60  }
0xae: {  	[dreg:$0x2] =	wrdreg s24  }
0xaf: {  	[dreg:$0x3] =	wrdreg s2  }
0xb0: {  	[dreg:$0x4] =	wrdreg $0x9  }
0xb1: {  	_ =	task.clear_ibuf [dreg:s7], $0x5FFFF;
	_ =	strace $0x90000046  }
0xb2: {  	s29 =	simm.s32 $0x9;
	_ =	strace $0x80000048  }
0xb3: {  	_ =	swait.ge [sflag:s29], $0x1  }
0xb4: {  	[sflag:s29] =	ssyncadd.s32 $0xFFFFFFFF  }
0xb5: {  	_ =	strace $0x90000048  }
0xb6: {  	_ =	sfence  }
0xb7: {  	s30 =	sld [smem:$0x0];
	_ =	sdelay $0x2  }
0xb8: {  	s31 =	sshll.u32 s1, $0xD;
	s1 =	sshrl.u32 s1, $0x2  }
0xb9: {  	s3 =	sand.u32 $0x4000, s31;
	s1 =	sadd.s32 s1, s30  }
0xba: {  	s0 =	sor.u32 s3, s0;
	s1 =	sshll.u32 s1, $0x11  }
0xbb: {  	s0 =	sor.u32 s1, s0  }
0xbc: {  	s0 =	sadd.s32 $0x8F2B, s0  }
0xbd: {  	[sflag:s0] =	ssyncadd.remote.s32 $0x1  }
0xbe: {  	_ =	sfence.sel $0xFFFF  }
0xbf: {  	[dreg:$0x0] =	wrdreg $0xFFFFFFFF;
	(pc) =	sbr.abs _section_cstart, $3  }
0xc0: {  	[dreg:$0x1] =	wrdreg $0xFFFFFFFF  }
0xc1: {  	_ =	task.clear_ibuf [dreg:s7], $0x2FFFF;
	_ =	strace $0x9FFFFFFF  }
0xc2: {  	(tm) =	ssettm $0x7FFFFFFF  }
0xc3: {  	_ =	shalt  }
tec
execute0_lowered:
.L_overlay_start_1:
0x0: {  	(tag) =	ssettag $0x1  }
0x1: {  	s0 =	srdreg.scid;
	s1 =	rddreg [dreg:$0x0]  }
0x2: {  	s2 =	stileid.u32;
	s11 =	rddreg [dreg:$0x1];
	s13 =	simm.s32 $0x70  }
0x3: {  	s14 =	simm.s32 $0x32C8;
	s15 =	simm.s32 $0x3338;
	s16 =	simm.s32 $0x1  }
0x4: {  	s17 =	simm.s32 $0xC8;
	s18 =	simm.s32 $0x58;
	s19 =	simm.s32 $0x1CC8  }
0x5: {  	s20 =	simm.s32 $0x3;
	s21 =	simm.s32 $0x2;
	s22 =	simm.s32 $0x3390  }
0x6: {  	s23 =	simm.s32 $0x4F90;
	s24 =	simm.s32 $0x4;
	s25 =	simm.s32 $0x6590  }
0x7: {  	s26 =	simm.s32 $0x5;
	s28 =	simm.s32 $0x0;
	s0 =	sand.u32 $0x1, s0  }
0x8: {  	s3 =	sshll.u32 s2, $0x8;
	s2 =	simm.s32 $0x0;
	s4 =	sshll.u32 s0, $0x7  }
0x9: {  	[smem:$0x7FF] =	sst s2;
	s0 =	ssub.s32 $0x2, s0;
	s10 =	sor.u32 s4, s3  }
0xa: {  	_ =	strace $0x80000047;
	s3 =	sadd.s32 $0x600, s1;
	s30 =	sshrl.u32 s0, $0x1  }
0xb: {  	s4 =	sadd.s32 $0x187000, s1;
	s5 =	smul.u32 $0x19, s10;
	s0 =	ssub.s32 s0, s30  }
0xc: {  	s9 =	sor.u32 $0x2, s10;
	s31 =	sshll.u32 s10, $0x4;
	s10 =	sor.u32 $0x3, s10  }
0xd: {  	s11 =	sadd.s32 s11, s31;
	s12 =	smax.u32 s0, $0x1;
	s5 =	sadd.s32 s3, s5  }
0xe: {  	s6 =	sadd.s32 $0xE, s5;
	s7 =	sadd.s32 $0x19, s5;
	s8 =	sadd.s32 $0x27, s5  }
.LBB2_1:
0xf: {  	[tilespmem:s2], [sflag:$0x1] =	stream.linear.gather [hbm4b:s5+s2], $0x70, $0x38;
	[tilespmem:$0xA590] =	vst v63  }
0x10: {  	_ = 	snop  }
0x11: {  	[tilespmem:s13], [sflag:$0x1] =	stream.linear.gather [hbm4b:s6+s2], $0x58, $0x38;
	[tilespmem:$0xA590] =	vst v63  }
0x12: {  	_ = 	snop  }
0x13: {  	[tilespmem:s14], [sflag:$0x2] =	stream.linear.gather [hbm4b:s7+s2], $0x70, $0x38;
	[tilespmem:$0xA590] =	vst v63  }
0x14: {  	_ = 	snop  }
0x15: {  	[tilespmem:s15], [sflag:$0x2] =	stream.linear.gather [hbm4b:s8+s2], $0x58, $0x38;
	[tilespmem:$0xA590] =	vst v63  }
0x16: {  	_ =	swait.ge [sflag:s16], $0x70  }
0x17: {  	[sflag:s16] =	ssyncset.done $0x0  }
0x18: {  	[sflag:s16] =	ssyncadd.s32 $0xFFFFFF90  }
0x19: {  	_ =	swait.ge [sflag:s16], $0x58  }
0x1a: {  	[sflag:s16] =	ssyncset.done $0x0  }
0x1b: {  	[sflag:s16] =	ssyncadd.s32 $0xFFFFFFA8  }
0x1c: {  	[tilespmem:s17], [sflag:$0x3] =	stream.indirect.gather [hbm4b:s4+s13], $0x40, s2, s13, $0xb8;
	[tilespmem:$0xA590] =	vst v63  }
0x1d: {  	s29 =	simm.s32 $0x0  }
0x1e: {  	[tilespmem:s19], [sflag:$0x3] =	stream.indirect.gather [hbm4b:s4+s18], $0x40, s13, s18, $0xb8;
	[tilespmem:$0xA590] =	vst v63  }
.LBB2_2:
0x1f: {  	s31 =	sshll.u32 s29, $0x1;
	_ =	swait.ge [sflag:s20], $0x1C00;
	p0 =	seq.s32 s29, $0x3F  }
0x20: {  	[sflag:s20] =	ssyncset.done $0x0;
	s0 =	sadd.s32 @!p0 s31, s9  }
0x21: {  	[sflag:s20] =	ssyncadd.s32 $0xFFFFE400;
	s0 =	smul.u32 @!p0 $0xC8, s0  }
0x22: {  	_ =	swait.ge [sflag:s20], $0x1600  }
0x23: {  	[sflag:s20] =	ssyncset.done $0x0;
	s0 =	sshrl.u32 @!p0 s0, $0x3  }
0x24: {  	s1 =	simm.s32 @!p0 $0x0;
	[sflag:s20] =	ssyncadd.s32 $0xFFFFEA00;
	s0 =	sadd.s32 @!p0 s3, s0  }
0x25: {  	[tilespmem:s1], [sflag:$0x1] =	stream.linear.gather @!p0 [hbm4b:s0+s1], $0x70, $0x38;
	[tilespmem:$0xA590] =	vst v63  }
0x26: {  	s30 =	simm.s32 @!p0 $0x70;
	s0 =	sadd.s32 @!p0 $0xE, s0  }
0x27: {  	[tilespmem:s30], [sflag:$0x1] =	stream.linear.gather @!p0 [hbm4b:s0+s1], $0x58, $0x38;
	[tilespmem:$0xA590] =	vst v63  }
0x28: {  	_ =	swait.ge [sflag:s21], $0x70  }
0x29: {  	[sflag:s21] =	ssyncset.done $0x0  }
0x2a: {  	[sflag:s21] =	ssyncadd.s32 $0xFFFFFF90  }
0x2b: {  	_ =	swait.ge [sflag:s21], $0x58  }
0x2c: {  	[sflag:s21] =	ssyncset.done $0x0  }
0x2d: {  	[sflag:s21] =	ssyncadd.s32 $0xFFFFFFA8  }
0x2e: {  	[tilespmem:s22], [sflag:$0x4] =	stream.indirect.gather [hbm4b:s4+s13], $0x40, s14, s13, $0xb8;
	[tilespmem:$0xA590] =	vst v63  }
0x2f: {  	s30 =	simm.s32 $0x1C8  }
0x30: {  	[tilespmem:s23], [sflag:$0x4] =	stream.indirect.gather [hbm4b:s4+s18], $0x40, s15, s18, $0xb8;
	[tilespmem:$0xA590] =	vst v63  }
0x31: {  	v2 =	vld [tilespmem:s30+$0xC0]  }
0x32: {  	v0 =	vld [tilespmem:s30+$0xD0]  }
0x33: {  	v3 =	vld [tilespmem:s30+$0x80]  }
0x34: {  	v1 =	vld [tilespmem:s30+$0x90]  }
0x35: {  	v4 =	vld [tilespmem:s30+$0xFFFFFF00]  }
0x36: {  	v5 =	vld [tilespmem:s30+$0x40]  }
0x37: {  	v6 =	vld [tilespmem:s30+$0xFFFFFF40]  }
0x38: {  	v10 =	vld [tilespmem:s30+$0x50]  }
0x39: {  	v7 =	vimm.f32 $0.0e+00;
	v8 =	vld [tilespmem:s30+$0xFFFFFF80]  }
0x3a: {  	v11 =	vld [tilespmem:s30+$0x0];
	v9 =	vadd.f32 v4, v7  }
0x3b: {  	v12 =	vld [tilespmem:s30+$0xFFFFFFC0]  }
0x3c: {  	v15 =	vld [tilespmem:s30+$0x10];
	v9 =	vadd.f32 v6, v9  }
0x3d: {  	v16 =	vimm.f32 $-Inf;
	v13 =	vld [tilespmem:s30+$0xFFFFFFD0]  }
0x3e: {  	v17 =	vld [tilespmem:s30+$0xFFFFFF10];
	v4 =	vmax.f32 v16, v4;
	v9 =	vadd.f32 v8, v9  }
0x3f: {  	v14 =	vld [tilespmem:s30+$0xFFFFFF90];
	v4 =	vmax.f32 v4, v6  }
0x40: {  	v6 =	vld [tilespmem:s30+$0xFFFFFF50];
	v4 =	vmax.f32 v4, v8;
	v8 =	vadd.f32 v12, v9  }
0x41: {  	v4 =	vmax.f32 v4, v12;
	v9 =	vld [tilespmem:s30+$0xFFFFFF20]  }
0x42: {  	v4 =	vmax.f32 v4, v11;
	v12 =	vld [tilespmem:s30+$0xFFFFFF30];
	v8 =	vadd.f32 v11, v8  }
0x43: {  	v19 =	vld [tilespmem:s30+$0xFFFFFF70];
	v18 =	vmax.f32 v16, v17;
	v4 =	vmax.f32 v4, v5  }
0x44: {  	v17 =	vadd.f32 v17, v7;
	v4 =	vmax.f32 v4, v3;
	v11 =	vld [tilespmem:s30+$0xFFFFFF60];
	v5 =	vadd.f32 v5, v8  }
0x45: {  	v20 =	vld [tilespmem:s30+$0xFFFFFFB0];
	v4 =	vmax.f32 v4, v2  }
0x46: {  	v17 =	vadd.f32 v6, v17;
	v8 =	vmax.f32 v18, v6;
	v18 =	vld [tilespmem:s30+$0xFFFFFFA0];
	v3 =	vadd.f32 v3, v5  }
0x47: {  	v22 =	vld [tilespmem:s30+$0xFFFFFFE0];
	v8 =	vmax.f32 v8, v14;
	v21 =	vadd.f32 v12, v7;
	v5 =	vadd.f32 v9, v7  }
0x48: {  	v17 =	vadd.f32 v14, v17;
	v8 =	vmax.f32 v8, v13;
	v7 =	vld [tilespmem:s30+$0xFFFFFFF0];
	v6 =	vadd.f32 v2, v3  }
0x49: {  	v62 =	vld [tilespmem:s30+$0x20];
	v8 =	vmax.f32 v8, v15;
	v2 =	vadd.f32 v11, v5;
	v3 =	vadd.f32 v19, v21  }
0x4a: {  	v17 =	vadd.f32 v13, v17;
	v9 =	vmax.f32 v16, v9;
	v5 =	vmax.f32 v8, v10;
	v8 =	vld [tilespmem:s30+$0x30]  }
0x4b: {  	v14 =	vld [tilespmem:s30+$0x60];
	v16 =	vmax.f32 v16, v12;
	v2 =	vadd.f32 v18, v2;
	v3 =	vadd.f32 v20, v3  }
0x4c: {  	v9 =	vmax.f32 v9, v11;
	v15 =	vadd.f32 v15, v17;
	v11 =	vld [tilespmem:s30+$0x70];
	v5 =	vmax.f32 v5, v1  }
0x4d: {  	v13 =	vld [tilespmem:s30+$0xA0];
	v9 =	vmax.f32 v9, v18;
	v2 =	vadd.f32 v22, v2;
	v3 =	vadd.f32 v7, v3  }
0x4e: {  	v12 =	vld [tilespmem:s30+$0xB0];
	v5 =	vmax.f32 v5, v0;
	v9 =	vmax.f32 v9, v22;
	v18 =	vmax.f32 v16, v19  }
0x4f: {  	v63 =	vmax.f32 v9, v62;
	v9 =	vld [tilespmem:s30+$0xE0];
	v17 =	vadd.f32 v62, v2;
	v16 =	vadd.f32 v8, v3  }
0x50: {  	s1 =	simm.s32 $0x0;
	s0 =	simm.s32 $0x3C8;
	v19 =	vmax.f32 v18, v20;
	v18 =	vadd.f32 v10, v15;
	v10 =	vld [tilespmem:s30+$0xF0];
	v15 =	vmax.f32 v63, v14  }
.LBB2_3:
0x51: {  	v2 =	vld [tilespmem:s0+$0xC0];
	v3 =	vmax.f32 v19, v7;
	v7 =	vadd.f32 v14, v17;
	v14 =	vadd.f32 v11, v16  }
0x52: {  	v16 =	vld [tilespmem:s0+$0xD0];
	v3 =	vmax.f32 v3, v8;
	v8 =	vadd.f32 v1, v18;
	v15 =	vmax.f32 v15, v13  }
0x53: {  	v17 =	vld [tilespmem:s0+$0x80];
	v3 =	vmax.f32 v3, v11;
	v7 =	vadd.f32 v13, v7;
	v11 =	vadd.f32 v12, v14  }
0x54: {  	v1 =	vld [tilespmem:s0+$0x90];
	v3 =	vmax.f32 v3, v12;
	v8 =	vadd.f32 v0, v8;
	v12 =	vmax.f32 v15, v9  }
0x55: {  	s30 =	simm.s32 $0x1DC8;
	v13 =	vld [tilespmem:s0+$0xFFFFFF00];
	v7 =	vadd.f32 v9, v7;
	v3 =	vmax.f32 v3, v10;
	v9 =	vadd.f32 v10, v11  }
0x56: {  	v10 =	vld [tilespmem:s0+$0x40]  }
0x57: {  	v11 =	vld [tilespmem:s0+$0xFFFFFF40];
	v0 =	vmov v16  }
0x58: {  	v15 =	vld [tilespmem:s0+$0x50]  }
0x59: {  	v14 =	vld [tilespmem:s0+$0xFFFFFF80]  }
0x5a: {  	v6 =	vadd.f32 v13, v6;
	v16 =	vld [tilespmem:s0+$0x0]  }
0x5b: {  	v18 =	vld [tilespmem:s0+$0xFFFFFFC0]  }
0x5c: {  	v6 =	vadd.f32 v11, v6;
	v19 =	vld [tilespmem:s0+$0x10]  }
0x5d: {  	v20 =	vld [tilespmem:s0+$0xFFFFFFD0]  }
0x5e: {  	v4 =	vmax.f32 v4, v13;
	v6 =	vadd.f32 v14, v6;
	v13 =	vld [tilespmem:s0+$0xFFFFFF90]  }
0x5f: {  	v4 =	vmax.f32 v4, v11;
	v21 =	vld [tilespmem:s0+$0xFFFFFF10]  }
0x60: {  	v4 =	vmax.f32 v4, v14;
	v11 =	vld [tilespmem:s0+$0xFFFFFF50];
	v6 =	vadd.f32 v18, v6  }
0x61: {  	v4 =	vmax.f32 v4, v18;
	v14 =	vld [tilespmem:s0+$0xFFFFFF20]  }
0x62: {  	s1 =	sadd.s32 $0x8, s1;
	v4 =	vmax.f32 v4, v16;
	v18 =	vld [tilespmem:s0+$0xFFFFFF30];
	v6 =	vadd.f32 v16, v6  }
0x63: {  	p1 =	slt.u32 s1, $0x68;
	v4 =	vmax.f32 v4, v10;
	v16 =	vld [tilespmem:s0+$0xFFFFFF60]  }
0x64: {  	v4 =	vmax.f32 v4, v17;
	v5 =	vmax.f32 v5, v21;
	v22 =	vld [tilespmem:s0+$0xFFFFFF70];
	v6 =	vadd.f32 v10, v6  }
0x65: {  	v4 =	vmax.f32 v4, v2;
	v5 =	vmax.f32 v5, v11;
	v10 =	vld [tilespmem:s0+$0xFFFFFFA0]  }
0x66: {  	v8 =	vadd.f32 v21, v8;
	v5 =	vmax.f32 v5, v13;
	v21 =	vld [tilespmem:s0+$0xFFFFFFB0];
	v6 =	vadd.f32 v17, v6  }
0x67: {  	v17 =	vadd.f32 v14, v7;
	v9 =	vadd.f32 v18, v9;
	v5 =	vmax.f32 v5, v20;
	v23 =	vld [tilespmem:s0+$0xFFFFFFE0]  }
0x68: {  	v8 =	vadd.f32 v11, v8;
	v7 =	vld [tilespmem:s0+$0xFFFFFFF0];
	v5 =	vmax.f32 v5, v19;
	v6 =	vadd.f32 v2, v6  }
0x69: {  	v2 =	vadd.f32 v16, v17;
	v9 =	vadd.f32 v22, v9;
	v17 =	vld [tilespmem:s0+$0x20];
	v5 =	vmax.f32 v5, v15  }
0x6a: {  	v11 =	vmax.f32 v12, v14;
	v12 =	vadd.f32 v13, v8;
	v8 =	vld [tilespmem:s0+$0x30];
	v5 =	vmax.f32 v5, v1  }
0x6b: {  	v11 =	vmax.f32 v11, v16;
	v2 =	vadd.f32 v10, v2;
	v9 =	vadd.f32 v21, v9;
	v14 =	vld [tilespmem:s0+$0x60]  }
.Ltmp0:
0x6c: {  	v10 =	vmax.f32 v11, v10;
	v12 =	vadd.f32 v20, v12;
	v5 =	vmax.f32 v5, v0;
	v11 =	vld [tilespmem:s0+$0x70];
	(pc) =	sbr.rel @p1 .LBB2_3-.Ltmp0, $4  }
0x6d: {  	v10 =	vmax.f32 v10, v23;
	v2 =	vadd.f32 v23, v2;
	v9 =	vadd.f32 v7, v9;
	v13 =	vld [tilespmem:s0+$0xA0]  }
0x6e: {  	v3 =	vmax.f32 v3, v18;
	v18 =	vadd.f32 v19, v12;
	v10 =	vmax.f32 v10, v17;
	v12 =	vld [tilespmem:s0+$0xB0]  }
0x6f: {  	v3 =	vmax.f32 v3, v22;
	v17 =	vadd.f32 v17, v2;
	v16 =	vadd.f32 v8, v9;
	v9 =	vld [tilespmem:s0+$0xE0]  }
0x70: {  	v19 =	vmax.f32 v3, v21;
	v18 =	vadd.f32 v15, v18;
	v15 =	vmax.f32 v10, v14;
	v10 =	vld [tilespmem:s0+$0xF0];
	s0 =	sadd.s32 $0x200, s0  }
0x71: {  	v20 =	vld [tilespmem:s30+$0xC0]  }
0x72: {  	v2 =	vld [tilespmem:s30+$0xD0]  }
0x73: {  	v21 =	vld [tilespmem:s30+$0x80]  }
0x74: {  	v3 =	vld [tilespmem:s30+$0x90]  }
0x75: {  	v22 =	vld [tilespmem:s30+$0xFFFFFF00]  }
0x76: {  	v23 =	vld [tilespmem:s30+$0x40]  }
0x77: {  	v24 =	vld [tilespmem:s30+$0xFFFFFF40]  }
0x78: {  	v26 =	vld [tilespmem:s30+$0xFFFFFF80]  }
0x79: {  	v27 =	vld [tilespmem:s30+$0x0]  }
0x7a: {  	v28 =	vld [tilespmem:s30+$0xFFFFFFC0]  }
0x7b: {  	v7 =	vmax.f32 v19, v7;
	v14 =	vadd.f32 v14, v17;
	v17 =	vld [tilespmem:s30+$0x10]  }
0x7c: {  	v19 =	vld [tilespmem:s30+$0xFFFFFF30];
	v7 =	vmax.f32 v7, v8;
	v6 =	vadd.f32 v22, v6  }
0x7d: {  	v8 =	vadd.f32 v11, v16;
	v15 =	vmax.f32 v15, v13;
	v13 =	vadd.f32 v13, v14;
	v14 =	vld [tilespmem:s30+$0xFFFFFF10]  }
0x7e: {  	v61 =	vld [tilespmem:s30+$0xFFFFFF70];
	v1 =	vadd.f32 v1, v18;
	v7 =	vmax.f32 v7, v11;
	v6 =	vadd.f32 v24, v6  }
0x7f: {  	v16 =	vld [tilespmem:s30+$0xFFFFFFD0];
	v8 =	vadd.f32 v12, v8;
	v7 =	vmax.f32 v7, v12;
	v4 =	vmax.f32 v4, v22  }
0x80: {  	v18 =	vld [tilespmem:s30+$0xFFFFFF50];
	v1 =	vadd.f32 v0, v1;
	v4 =	vmax.f32 v4, v24;
	v6 =	vadd.f32 v26, v6  }
0x81: {  	v11 =	vld [tilespmem:s30+$0xFFFFFF90];
	v15 =	vmax.f32 v15, v9;
	v8 =	vadd.f32 v10, v8;
	v4 =	vmax.f32 v4, v26  }
0x82: {  	v12 =	vld [tilespmem:s30+$0xFFFFFF20];
	v5 =	vmax.f32 v5, v14;
	v0 =	vmax.f32 v4, v28;
	v6 =	vadd.f32 v28, v6  }
0x83: {  	v62 =	vld [tilespmem:s30+$0xFFFFFFB0];
	v1 =	vadd.f32 v14, v1;
	v8 =	vadd.f32 v19, v8;
	v0 =	vmax.f32 v0, v27  }
0x84: {  	v4 =	vadd.f32 v27, v6;
	v6 =	vadd.f32 v9, v13;
	v13 =	vmax.f32 v7, v10;
	v7 =	vld [tilespmem:s30+$0xFFFFFF60]  }
0x85: {  	v25 =	vld [tilespmem:s30+$0x50];
	v5 =	vmax.f32 v5, v18;
	v1 =	vadd.f32 v18, v1;
	v0 =	vmax.f32 v0, v23  }
0x86: {  	v5 =	vmax.f32 v5, v11;
	v8 =	vadd.f32 v61, v8;
	v0 =	vmax.f32 v0, v21;
	v9 =	vld [tilespmem:s30+$0xFFFFFFA0]  }
0x87: {  	v14 =	vld [tilespmem:s30+$0xFFFFFFE0];
	v1 =	vadd.f32 v11, v1;
	v10 =	vmax.f32 v5, v16;
	v6 =	vadd.f32 v12, v6  }
0x88: {  	v8 =	vadd.f32 v62, v8;
	v0 =	vmax.f32 v0, v20;
	v5 =	vld [tilespmem:s30+$0xFFFFFFF0];
	v10 =	vmax.f32 v10, v17  }
0x89: {  	v63 =	vld [tilespmem:s30+$0x20];
	v13 =	vmax.f32 v13, v19;
	v4 =	vadd.f32 v23, v4;
	v18 =	vadd.f32 v7, v6  }
0x8a: {  	v10 =	vmax.f32 v10, v25;
	v12 =	vmax.f32 v15, v12;
	v15 =	vadd.f32 v16, v1;
	v6 =	vld [tilespmem:s30+$0x30]  }
0x8b: {  	v11 =	vld [tilespmem:s30+$0x60];
	v10 =	vmax.f32 v10, v3;
	v7 =	vmax.f32 v12, v7;
	v12 =	vadd.f32 v9, v18  }
0x8c: {  	v13 =	vmax.f32 v13, v61;
	v1 =	vmax.f32 v10, v2;
	v9 =	vmax.f32 v7, v9;
	v7 =	vld [tilespmem:s30+$0x70]  }
0x8d: {  	v10 =	vmax.f32 v9, v14;
	v9 =	vld [tilespmem:s30+$0xA0];
	v12 =	vadd.f32 v14, v12;
	v14 =	vadd.f32 v5, v8  }
0x8e: {  	v4 =	vadd.f32 v21, v4;
	v16 =	vadd.f32 v17, v15;
	v17 =	vmax.f32 v13, v62;
	v8 =	vld [tilespmem:s30+$0xB0]  }
0x8f: {  	v18 =	vmax.f32 v10, v63;
	v10 =	vld [tilespmem:s30+$0xE0];
	v15 =	vadd.f32 v63, v12;
	v14 =	vadd.f32 v6, v14  }
0x90: {  	s1 =	simm.s32 $0x0;
	s0 =	simm.s32 $0x1FC8;
	v4 =	vadd.f32 v20, v4;
	v16 =	vadd.f32 v25, v16;
	v13 =	vmax.f32 v18, v11;
	v12 =	vld [tilespmem:s30+$0xF0]  }
.LBB2_5:
0x91: {  	v18 =	vld [tilespmem:s0+$0xC0];
	v5 =	vmax.f32 v17, v5;
	v11 =	vadd.f32 v11, v15;
	v14 =	vadd.f32 v7, v14  }
0x92: {  	v15 =	vld [tilespmem:s0+$0xD0];
	v5 =	vmax.f32 v5, v6;
	v6 =	vadd.f32 v3, v16;
	v13 =	vmax.f32 v13, v9  }
0x93: {  	v16 =	vld [tilespmem:s0+$0x80];
	v5 =	vmax.f32 v5, v7;
	v7 =	vadd.f32 v9, v11;
	v9 =	vadd.f32 v8, v14  }
0x94: {  	v3 =	vld [tilespmem:s0+$0x90];
	v5 =	vmax.f32 v5, v8;
	v6 =	vadd.f32 v2, v6;
	v8 =	vmax.f32 v13, v10  }
0x95: {  	v11 =	vld [tilespmem:s0+$0xFFFFFF00];
	v7 =	vadd.f32 v10, v7;
	v10 =	vmax.f32 v5, v12;
	v5 =	vadd.f32 v12, v9  }
0x96: {  	v9 =	vld [tilespmem:s0+$0x40]  }
0x97: {  	v12 =	vld [tilespmem:s0+$0xFFFFFF40];
	v2 =	vmov v15  }
0x98: {  	v13 =	vld [tilespmem:s0+$0x50]  }
0x99: {  	v14 =	vld [tilespmem:s0+$0xFFFFFF80]  }
0x9a: {  	v4 =	vadd.f32 v11, v4;
	v15 =	vld [tilespmem:s0+$0x0]  }
0x9b: {  	v17 =	vld [tilespmem:s0+$0xFFFFFFC0]  }
0x9c: {  	v4 =	vadd.f32 v12, v4;
	v19 =	vld [tilespmem:s0+$0x10]  }
0x9d: {  	v20 =	vld [tilespmem:s0+$0xFFFFFFD0]  }
0x9e: {  	v0 =	vmax.f32 v0, v11;
	v4 =	vadd.f32 v14, v4;
	v11 =	vld [tilespmem:s0+$0xFFFFFF90]  }
0x9f: {  	v0 =	vmax.f32 v0, v12;
	v21 =	vld [tilespmem:s0+$0xFFFFFF10]  }
0xa0: {  	v0 =	vmax.f32 v0, v14;
	v12 =	vld [tilespmem:s0+$0xFFFFFF50];
	v4 =	vadd.f32 v17, v4  }
0xa1: {  	v0 =	vmax.f32 v0, v17;
	v14 =	vld [tilespmem:s0+$0xFFFFFF20]  }
0xa2: {  	s1 =	sadd.s32 $0x8, s1;
	v0 =	vmax.f32 v0, v15;
	v17 =	vld [tilespmem:s0+$0xFFFFFF30];
	v4 =	vadd.f32 v15, v4  }
0xa3: {  	p1 =	slt.u32 s1, $0x50;
	v0 =	vmax.f32 v0, v9;
	v15 =	vld [tilespmem:s0+$0xFFFFFF60]  }
0xa4: {  	v0 =	vmax.f32 v0, v16;
	v1 =	vmax.f32 v1, v21;
	v22 =	vld [tilespmem:s0+$0xFFFFFF70];
	v4 =	vadd.f32 v9, v4  }
0xa5: {  	v0 =	vmax.f32 v0, v18;
	v1 =	vmax.f32 v1, v12;
	v9 =	vld [tilespmem:s0+$0xFFFFFFA0]  }
0xa6: {  	v6 =	vadd.f32 v21, v6;
	v1 =	vmax.f32 v1, v11;
	v21 =	vld [tilespmem:s0+$0xFFFFFFB0];
	v4 =	vadd.f32 v16, v4  }
0xa7: {  	v7 =	vadd.f32 v14, v7;
	v16 =	vadd.f32 v17, v5;
	v1 =	vmax.f32 v1, v20;
	v23 =	vld [tilespmem:s0+$0xFFFFFFE0]  }
0xa8: {  	v6 =	vadd.f32 v12, v6;
	v5 =	vld [tilespmem:s0+$0xFFFFFFF0];
	v1 =	vmax.f32 v1, v19;
	v4 =	vadd.f32 v18, v4  }
0xa9: {  	v7 =	vadd.f32 v15, v7;
	v12 =	vadd.f32 v22, v16;
	v16 =	vld [tilespmem:s0+$0x20];
	v1 =	vmax.f32 v1, v13  }
0xaa: {  	v8 =	vmax.f32 v8, v14;
	v14 =	vadd.f32 v11, v6;
	v6 =	vld [tilespmem:s0+$0x30];
	v1 =	vmax.f32 v1, v3  }
0xab: {  	v8 =	vmax.f32 v8, v15;
	v15 =	vadd.f32 v9, v7;
	v12 =	vadd.f32 v21, v12;
	v11 =	vld [tilespmem:s0+$0x60]  }
.Ltmp1:
0xac: {  	v8 =	vmax.f32 v8, v9;
	v14 =	vadd.f32 v20, v14;
	v1 =	vmax.f32 v1, v2;
	v7 =	vld [tilespmem:s0+$0x70];
	(pc) =	sbr.rel @p1 .LBB2_5-.Ltmp1, $4  }
0xad: {  	v8 =	vmax.f32 v8, v23;
	v15 =	vadd.f32 v23, v15;
	v12 =	vadd.f32 v5, v12;
	v9 =	vld [tilespmem:s0+$0xA0]  }
0xae: {  	v10 =	vmax.f32 v10, v17;
	v18 =	vadd.f32 v19, v14;
	v19 =	vmax.f32 v8, v16;
	v8 =	vld [tilespmem:s0+$0xB0]  }
0xaf: {  	v17 =	vmax.f32 v10, v22;
	v15 =	vadd.f32 v16, v15;
	v14 =	vadd.f32 v6, v12;
	v10 =	vld [tilespmem:s0+$0xE0]  }
0xb0: {  	v17 =	vmax.f32 v17, v21;
	v16 =	vadd.f32 v13, v18;
	v13 =	vmax.f32 v19, v11;
	v12 =	vld [tilespmem:s0+$0xF0];
	s0 =	sadd.s32 $0x200, s0  }
0xb1: {  	_ = 	snop  }
0xb2: {  	v3 =	vadd.f32 v3, v16  }
0xb3: {  	v14 =	vadd.f32 v7, v14;
	s0 =	sshll.u32 s29, $0xA  }
0xb4: {  	v11 =	vadd.f32 v11, v15;
	s30 =	sshra.s32 s0, $0x2;
	v2 =	vadd.f32 v2, v3  }
0xb5: {  	v5 =	vmax.f32 v17, v5;
	[tilespmem:s30+$0x6590] =	vst v0;
	v0 =	vadd.f32 v8, v14;
	v3 =	vmul.f32 $4.999999890e-03, v4  }
0xb6: {  	v11 =	vadd.f32 v9, v11;
	[tilespmem:s30+$0x65A0] =	vst v1;
	v4 =	vmax.f32 v5, v6;
	v2 =	vmul.f32 $4.999999890e-03, v2  }
0xb7: {  	v4 =	vmax.f32 v4, v7;
	v0 =	vadd.f32 v12, v0;
	[tilespmem:s30+$0x65D0] =	vst v3;
	v3 =	vmax.f32 v13, v9  }
0xb8: {  	v5 =	vadd.f32 v10, v11;
	v1 =	vmax.f32 v3, v10;
	v3 =	vmax.f32 v4, v8;
	[tilespmem:s30+$0x65E0] =	vst v2  }
0xb9: {  	v0 =	vmul.f32 $4.999999890e-03, v0;
	[tilespmem:s30+$0x65B0] =	vst v1;
	v1 =	vmax.f32 v3, v12  }
0xba: {  	v2 =	vmul.f32 $4.999999890e-03, v5;
	[tilespmem:s30+$0x65C0] =	vst v1  }
0xbb: {  	[tilespmem:s30+$0x6600] =	vst v0  }
0xbc: {  	[tilespmem:s30+$0x65F0] =	vst v2  }
0xbd: {  	_ =	swait.ge [sflag:s24], $0x1C00  }
0xbe: {  	s0 =	sadd.s32 @!p0 s31, s10;
	[sflag:s24] =	ssyncset.done $0x0  }
0xbf: {  	s0 =	smul.u32 @!p0 $0xC8, s0;
	[sflag:s24] =	ssyncadd.s32 $0xFFFFE400  }
0xc0: {  	_ =	swait.ge [sflag:s24], $0x1600  }
0xc1: {  	s1 =	simm.s32 @!p0 $0x0;
	s0 =	sshrl.u32 @!p0 s0, $0x3;
	[sflag:s24] =	ssyncset.done $0x0  }
0xc2: {  	s31 =	simm.s32 @!p0 $0x32C8;
	s0 =	sadd.s32 @!p0 s3, s0;
	[sflag:s24] =	ssyncadd.s32 $0xFFFFEA00  }
0xc3: {  	[tilespmem:s31], [sflag:$0x2] =	stream.linear.gather @!p0 [hbm4b:s0+s1], $0x70, $0x38;
	[tilespmem:$0xA590] =	vst v63  }
0xc4: {  	s0 =	sadd.s32 @!p0 $0xE, s0;
	s31 =	simm.s32 @!p0 $0x3338  }
0xc5: {  	[tilespmem:s31], [sflag:$0x2] =	stream.linear.gather @!p0 [hbm4b:s0+s1], $0x58, $0x38;
	[tilespmem:$0xA590] =	vst v63  }
0xc6: {  	s0 =	simm.s32 @!p0 $0x1  }
0xc7: {  	_ =	swait.ge @!p0 [sflag:s0], $0x70  }
0xc8: {  	[sflag:s0] =	ssyncset.done @!p0 $0x0  }
0xc9: {  	[sflag:s0] =	ssyncadd.s32 @!p0 $0xFFFFFF90  }
0xca: {  	_ =	swait.ge @!p0 [sflag:s0], $0x58  }
0xcb: {  	[sflag:s0] =	ssyncset.done @!p0 $0x0  }
0xcc: {  	s31 =	simm.s32 @!p0 $0xC8;
	[sflag:s0] =	ssyncadd.s32 @!p0 $0xFFFFFFA8;
	s0 =	simm.s32 @!p0 $0x70  }
0xcd: {  	[tilespmem:s31], [sflag:$0x3] =	stream.indirect.gather @!p0 [hbm4b:s4+s0], $0x40, s1, s0, $0xb8;
	[tilespmem:$0xA590] =	vst v63  }
0xce: {  	s1 =	simm.s32 @!p0 $0x58;
	s31 =	simm.s32 @!p0 $0x1CC8  }
0xcf: {  	[tilespmem:s31], [sflag:$0x3] =	stream.indirect.gather @!p0 [hbm4b:s4+s1], $0x40, s0, s1, $0xb8;
	[tilespmem:$0xA590] =	vst v63  }
0xd0: {  	s31 =	simm.s32 $0x3490  }
0xd1: {  	v2 =	vld [tilespmem:s31+$0xC0]  }
0xd2: {  	v0 =	vld [tilespmem:s31+$0xD0]  }
0xd3: {  	v3 =	vld [tilespmem:s31+$0x80]  }
0xd4: {  	v1 =	vld [tilespmem:s31+$0x90]  }
0xd5: {  	v4 =	vld [tilespmem:s31+$0xFFFFFF00]  }
0xd6: {  	v5 =	vld [tilespmem:s31+$0x40]  }
0xd7: {  	v6 =	vld [tilespmem:s31+$0xFFFFFF40]  }
0xd8: {  	v10 =	vld [tilespmem:s31+$0x50]  }
0xd9: {  	v7 =	vimm.f32 $0.0e+00;
	v8 =	vld [tilespmem:s31+$0xFFFFFF80]  }
0xda: {  	v11 =	vld [tilespmem:s31+$0x0];
	v9 =	vadd.f32 v4, v7  }
0xdb: {  	v12 =	vld [tilespmem:s31+$0xFFFFFFC0]  }
0xdc: {  	v15 =	vld [tilespmem:s31+$0x10];
	v9 =	vadd.f32 v6, v9  }
0xdd: {  	v16 =	vimm.f32 $-Inf;
	v13 =	vld [tilespmem:s31+$0xFFFFFFD0]  }
0xde: {  	v17 =	vld [tilespmem:s31+$0xFFFFFF10];
	v4 =	vmax.f32 v16, v4;
	v9 =	vadd.f32 v8, v9  }
0xdf: {  	v14 =	vld [tilespmem:s31+$0xFFFFFF90];
	v4 =	vmax.f32 v4, v6  }
0xe0: {  	v6 =	vld [tilespmem:s31+$0xFFFFFF50];
	v4 =	vmax.f32 v4, v8;
	v8 =	vadd.f32 v12, v9  }
0xe1: {  	v4 =	vmax.f32 v4, v12;
	v9 =	vld [tilespmem:s31+$0xFFFFFF20]  }
0xe2: {  	v4 =	vmax.f32 v4, v11;
	v12 =	vld [tilespmem:s31+$0xFFFFFF30];
	v8 =	vadd.f32 v11, v8  }
0xe3: {  	v19 =	vld [tilespmem:s31+$0xFFFFFF70];
	v18 =	vmax.f32 v16, v17;
	v4 =	vmax.f32 v4, v5  }
0xe4: {  	v17 =	vadd.f32 v17, v7;
	v4 =	vmax.f32 v4, v3;
	v11 =	vld [tilespmem:s31+$0xFFFFFF60];
	v5 =	vadd.f32 v5, v8  }
0xe5: {  	v20 =	vld [tilespmem:s31+$0xFFFFFFB0];
	v4 =	vmax.f32 v4, v2  }
0xe6: {  	v17 =	vadd.f32 v6, v17;
	v8 =	vmax.f32 v18, v6;
	v18 =	vld [tilespmem:s31+$0xFFFFFFA0];
	v3 =	vadd.f32 v3, v5  }
0xe7: {  	v22 =	vld [tilespmem:s31+$0xFFFFFFE0];
	v8 =	vmax.f32 v8, v14;
	v21 =	vadd.f32 v12, v7;
	v5 =	vadd.f32 v9, v7  }
0xe8: {  	v17 =	vadd.f32 v14, v17;
	v8 =	vmax.f32 v8, v13;
	v7 =	vld [tilespmem:s31+$0xFFFFFFF0];
	v6 =	vadd.f32 v2, v3  }
0xe9: {  	v62 =	vld [tilespmem:s31+$0x20];
	v8 =	vmax.f32 v8, v15;
	v2 =	vadd.f32 v11, v5;
	v3 =	vadd.f32 v19, v21  }
0xea: {  	v17 =	vadd.f32 v13, v17;
	v9 =	vmax.f32 v16, v9;
	v5 =	vmax.f32 v8, v10;
	v8 =	vld [tilespmem:s31+$0x30]  }
0xeb: {  	v14 =	vld [tilespmem:s31+$0x60];
	v16 =	vmax.f32 v16, v12;
	v2 =	vadd.f32 v18, v2;
	v3 =	vadd.f32 v20, v3  }
0xec: {  	v9 =	vmax.f32 v9, v11;
	v15 =	vadd.f32 v15, v17;
	v11 =	vld [tilespmem:s31+$0x70];
	v5 =	vmax.f32 v5, v1  }
0xed: {  	v13 =	vld [tilespmem:s31+$0xA0];
	v9 =	vmax.f32 v9, v18;
	v2 =	vadd.f32 v22, v2;
	v3 =	vadd.f32 v7, v3  }
0xee: {  	v12 =	vld [tilespmem:s31+$0xB0];
	v5 =	vmax.f32 v5, v0;
	v9 =	vmax.f32 v9, v22;
	v18 =	vmax.f32 v16, v19  }
0xef: {  	v63 =	vmax.f32 v9, v62;
	v9 =	vld [tilespmem:s31+$0xE0];
	v17 =	vadd.f32 v62, v2;
	v16 =	vadd.f32 v8, v3  }
0xf0: {  	s1 =	simm.s32 $0x0;
	s0 =	simm.s32 $0x3690;
	v19 =	vmax.f32 v18, v20;
	v18 =	vadd.f32 v10, v15;
	v10 =	vld [tilespmem:s31+$0xF0];
	v15 =	vmax.f32 v63, v14  }
.LBB2_7:
0xf1: {  	v2 =	vld [tilespmem:s0+$0xC0];
	v3 =	vmax.f32 v19, v7;
	v7 =	vadd.f32 v14, v17;
	v14 =	vadd.f32 v11, v16  }
0xf2: {  	v16 =	vld [tilespmem:s0+$0xD0];
	v3 =	vmax.f32 v3, v8;
	v8 =	vadd.f32 v1, v18;
	v15 =	vmax.f32 v15, v13  }
0xf3: {  	v17 =	vld [tilespmem:s0+$0x80];
	v3 =	vmax.f32 v3, v11;
	v7 =	vadd.f32 v13, v7;
	v11 =	vadd.f32 v12, v14  }
0xf4: {  	v1 =	vld [tilespmem:s0+$0x90];
	v3 =	vmax.f32 v3, v12;
	v8 =	vadd.f32 v0, v8;
	v12 =	vmax.f32 v15, v9  }
0xf5: {  	s31 =	simm.s32 $0x5090;
	v13 =	vld [tilespmem:s0+$0xFFFFFF00];
	v7 =	vadd.f32 v9, v7;
	v3 =	vmax.f32 v3, v10;
	v9 =	vadd.f32 v10, v11  }
0xf6: {  	v10 =	vld [tilespmem:s0+$0x40]  }
0xf7: {  	v11 =	vld [tilespmem:s0+$0xFFFFFF40];
	v0 =	vmov v16  }
0xf8: {  	v15 =	vld [tilespmem:s0+$0x50]  }
0xf9: {  	v14 =	vld [tilespmem:s0+$0xFFFFFF80]  }
0xfa: {  	v6 =	vadd.f32 v13, v6;
	v16 =	vld [tilespmem:s0+$0x0]  }
0xfb: {  	v18 =	vld [tilespmem:s0+$0xFFFFFFC0]  }
0xfc: {  	v6 =	vadd.f32 v11, v6;
	v19 =	vld [tilespmem:s0+$0x10]  }
0xfd: {  	v20 =	vld [tilespmem:s0+$0xFFFFFFD0]  }
0xfe: {  	v4 =	vmax.f32 v4, v13;
	v6 =	vadd.f32 v14, v6;
	v13 =	vld [tilespmem:s0+$0xFFFFFF90]  }
0xff: {  	v4 =	vmax.f32 v4, v11;
	v21 =	vld [tilespmem:s0+$0xFFFFFF10]  }
0x100: {  	v4 =	vmax.f32 v4, v14;
	v11 =	vld [tilespmem:s0+$0xFFFFFF50];
	v6 =	vadd.f32 v18, v6  }
0x101: {  	v4 =	vmax.f32 v4, v18;
	v14 =	vld [tilespmem:s0+$0xFFFFFF20]  }
0x102: {  	s1 =	sadd.s32 $0x8, s1;
	v4 =	vmax.f32 v4, v16;
	v18 =	vld [tilespmem:s0+$0xFFFFFF30];
	v6 =	vadd.f32 v16, v6  }
0x103: {  	p0 =	slt.u32 s1, $0x68;
	v4 =	vmax.f32 v4, v10;
	v16 =	vld [tilespmem:s0+$0xFFFFFF60]  }
0x104: {  	v4 =	vmax.f32 v4, v17;
	v5 =	vmax.f32 v5, v21;
	v22 =	vld [tilespmem:s0+$0xFFFFFF70];
	v6 =	vadd.f32 v10, v6  }
0x105: {  	v4 =	vmax.f32 v4, v2;
	v5 =	vmax.f32 v5, v11;
	v10 =	vld [tilespmem:s0+$0xFFFFFFA0]  }
0x106: {  	v8 =	vadd.f32 v21, v8;
	v5 =	vmax.f32 v5, v13;
	v21 =	vld [tilespmem:s0+$0xFFFFFFB0];
	v6 =	vadd.f32 v17, v6  }
0x107: {  	v17 =	vadd.f32 v14, v7;
	v9 =	vadd.f32 v18, v9;
	v5 =	vmax.f32 v5, v20;
	v23 =	vld [tilespmem:s0+$0xFFFFFFE0]  }
0x108: {  	v8 =	vadd.f32 v11, v8;
	v7 =	vld [tilespmem:s0+$0xFFFFFFF0];
	v5 =	vmax.f32 v5, v19;
	v6 =	vadd.f32 v2, v6  }
0x109: {  	v2 =	vadd.f32 v16, v17;
	v9 =	vadd.f32 v22, v9;
	v17 =	vld [tilespmem:s0+$0x20];
	v5 =	vmax.f32 v5, v15  }
0x10a: {  	v11 =	vmax.f32 v12, v14;
	v12 =	vadd.f32 v13, v8;
	v8 =	vld [tilespmem:s0+$0x30];
	v5 =	vmax.f32 v5, v1  }
0x10b: {  	v11 =	vmax.f32 v11, v16;
	v2 =	vadd.f32 v10, v2;
	v9 =	vadd.f32 v21, v9;
	v14 =	vld [tilespmem:s0+$0x60]  }
.Ltmp2:
0x10c: {  	v10 =	vmax.f32 v11, v10;
	v12 =	vadd.f32 v20, v12;
	v5 =	vmax.f32 v5, v0;
	v11 =	vld [tilespmem:s0+$0x70];
	(pc) =	sbr.rel @p0 .LBB2_7-.Ltmp2, $4  }
0x10d: {  	v10 =	vmax.f32 v10, v23;
	v2 =	vadd.f32 v23, v2;
	v9 =	vadd.f32 v7, v9;
	v13 =	vld [tilespmem:s0+$0xA0]  }
0x10e: {  	v3 =	vmax.f32 v3, v18;
	v18 =	vadd.f32 v19, v12;
	v10 =	vmax.f32 v10, v17;
	v12 =	vld [tilespmem:s0+$0xB0]  }
0x10f: {  	v3 =	vmax.f32 v3, v22;
	v17 =	vadd.f32 v17, v2;
	v16 =	vadd.f32 v8, v9;
	v9 =	vld [tilespmem:s0+$0xE0]  }
0x110: {  	v19 =	vmax.f32 v3, v21;
	v18 =	vadd.f32 v15, v18;
	v15 =	vmax.f32 v10, v14;
	v10 =	vld [tilespmem:s0+$0xF0];
	s0 =	sadd.s32 $0x200, s0  }
0x111: {  	v20 =	vld [tilespmem:s31+$0xC0]  }
0x112: {  	v2 =	vld [tilespmem:s31+$0xD0]  }
0x113: {  	v21 =	vld [tilespmem:s31+$0x80]  }
0x114: {  	v3 =	vld [tilespmem:s31+$0x90]  }
0x115: {  	v22 =	vld [tilespmem:s31+$0xFFFFFF00]  }
0x116: {  	v23 =	vld [tilespmem:s31+$0x40]  }
0x117: {  	v24 =	vld [tilespmem:s31+$0xFFFFFF40]  }
0x118: {  	v26 =	vld [tilespmem:s31+$0xFFFFFF80]  }
0x119: {  	v27 =	vld [tilespmem:s31+$0x0]  }
0x11a: {  	v28 =	vld [tilespmem:s31+$0xFFFFFFC0]  }
0x11b: {  	v7 =	vmax.f32 v19, v7;
	v14 =	vadd.f32 v14, v17;
	v17 =	vld [tilespmem:s31+$0x10]  }
0x11c: {  	v19 =	vld [tilespmem:s31+$0xFFFFFF30];
	v7 =	vmax.f32 v7, v8;
	v6 =	vadd.f32 v22, v6  }
0x11d: {  	v8 =	vadd.f32 v11, v16;
	v15 =	vmax.f32 v15, v13;
	v13 =	vadd.f32 v13, v14;
	v14 =	vld [tilespmem:s31+$0xFFFFFF10]  }
0x11e: {  	v61 =	vld [tilespmem:s31+$0xFFFFFF70];
	v1 =	vadd.f32 v1, v18;
	v7 =	vmax.f32 v7, v11;
	v6 =	vadd.f32 v24, v6  }
0x11f: {  	v16 =	vld [tilespmem:s31+$0xFFFFFFD0];
	v8 =	vadd.f32 v12, v8;
	v7 =	vmax.f32 v7, v12;
	v4 =	vmax.f32 v4, v22  }
0x120: {  	v18 =	vld [tilespmem:s31+$0xFFFFFF50];
	v1 =	vadd.f32 v0, v1;
	v4 =	vmax.f32 v4, v24;
	v6 =	vadd.f32 v26, v6  }
0x121: {  	v11 =	vld [tilespmem:s31+$0xFFFFFF90];
	v15 =	vmax.f32 v15, v9;
	v8 =	vadd.f32 v10, v8;
	v4 =	vmax.f32 v4, v26  }
0x122: {  	v12 =	vld [tilespmem:s31+$0xFFFFFF20];
	v5 =	vmax.f32 v5, v14;
	v0 =	vmax.f32 v4, v28;
	v6 =	vadd.f32 v28, v6  }
0x123: {  	v62 =	vld [tilespmem:s31+$0xFFFFFFB0];
	v1 =	vadd.f32 v14, v1;
	v8 =	vadd.f32 v19, v8;
	v0 =	vmax.f32 v0, v27  }
0x124: {  	v4 =	vadd.f32 v27, v6;
	v6 =	vadd.f32 v9, v13;
	v13 =	vmax.f32 v7, v10;
	v7 =	vld [tilespmem:s31+$0xFFFFFF60]  }
0x125: {  	v25 =	vld [tilespmem:s31+$0x50];
	v5 =	vmax.f32 v5, v18;
	v1 =	vadd.f32 v18, v1;
	v0 =	vmax.f32 v0, v23  }
0x126: {  	v5 =	vmax.f32 v5, v11;
	v8 =	vadd.f32 v61, v8;
	v0 =	vmax.f32 v0, v21;
	v9 =	vld [tilespmem:s31+$0xFFFFFFA0]  }
0x127: {  	v14 =	vld [tilespmem:s31+$0xFFFFFFE0];
	v1 =	vadd.f32 v11, v1;
	v10 =	vmax.f32 v5, v16;
	v6 =	vadd.f32 v12, v6  }
0x128: {  	v8 =	vadd.f32 v62, v8;
	v0 =	vmax.f32 v0, v20;
	v5 =	vld [tilespmem:s31+$0xFFFFFFF0];
	v10 =	vmax.f32 v10, v17  }
0x129: {  	v63 =	vld [tilespmem:s31+$0x20];
	v13 =	vmax.f32 v13, v19;
	v4 =	vadd.f32 v23, v4;
	v18 =	vadd.f32 v7, v6  }
0x12a: {  	v10 =	vmax.f32 v10, v25;
	v12 =	vmax.f32 v15, v12;
	v15 =	vadd.f32 v16, v1;
	v6 =	vld [tilespmem:s31+$0x30]  }
0x12b: {  	v11 =	vmax.f32 v10, v3;
	v10 =	vld [tilespmem:s31+$0x60];
	v7 =	vmax.f32 v12, v7;
	v12 =	vadd.f32 v9, v18  }
0x12c: {  	v13 =	vmax.f32 v13, v61;
	v1 =	vmax.f32 v11, v2;
	v9 =	vmax.f32 v7, v9;
	v7 =	vld [tilespmem:s31+$0x70]  }
0x12d: {  	v11 =	vmax.f32 v9, v14;
	v9 =	vld [tilespmem:s31+$0xA0];
	v12 =	vadd.f32 v14, v12;
	v14 =	vadd.f32 v5, v8  }
0x12e: {  	v4 =	vadd.f32 v21, v4;
	v16 =	vadd.f32 v17, v15;
	v17 =	vmax.f32 v13, v62;
	v8 =	vld [tilespmem:s31+$0xB0]  }
0x12f: {  	v18 =	vmax.f32 v11, v63;
	v11 =	vld [tilespmem:s31+$0xE0];
	v15 =	vadd.f32 v63, v12;
	v14 =	vadd.f32 v6, v14  }
0x130: {  	s1 =	simm.s32 $0x0;
	s0 =	simm.s32 $0x5290;
	v4 =	vadd.f32 v20, v4;
	v16 =	vadd.f32 v25, v16;
	v13 =	vmax.f32 v18, v10;
	v12 =	vld [tilespmem:s31+$0xF0]  }
.LBB2_9:
0x131: {  	v18 =	vld [tilespmem:s0+$0xC0];
	v5 =	vmax.f32 v17, v5;
	v10 =	vadd.f32 v10, v15;
	v14 =	vadd.f32 v7, v14  }
0x132: {  	v15 =	vld [tilespmem:s0+$0xD0];
	v5 =	vmax.f32 v5, v6;
	v6 =	vadd.f32 v3, v16;
	v13 =	vmax.f32 v13, v9  }
0x133: {  	v16 =	vld [tilespmem:s0+$0x80];
	v5 =	vmax.f32 v5, v7;
	v7 =	vadd.f32 v9, v10;
	v9 =	vadd.f32 v8, v14  }
0x134: {  	v3 =	vld [tilespmem:s0+$0x90];
	v5 =	vmax.f32 v5, v8;
	v6 =	vadd.f32 v2, v6;
	v8 =	vmax.f32 v13, v11  }
0x135: {  	v10 =	vld [tilespmem:s0+$0xFFFFFF00];
	v7 =	vadd.f32 v11, v7;
	v11 =	vmax.f32 v5, v12;
	v5 =	vadd.f32 v12, v9  }
0x136: {  	v9 =	vld [tilespmem:s0+$0x40]  }
0x137: {  	v12 =	vld [tilespmem:s0+$0xFFFFFF40];
	v2 =	vmov v15  }
0x138: {  	v13 =	vld [tilespmem:s0+$0x50]  }
0x139: {  	v14 =	vld [tilespmem:s0+$0xFFFFFF80]  }
0x13a: {  	v4 =	vadd.f32 v10, v4;
	v15 =	vld [tilespmem:s0+$0x0]  }
0x13b: {  	v17 =	vld [tilespmem:s0+$0xFFFFFFC0]  }
0x13c: {  	v4 =	vadd.f32 v12, v4;
	v19 =	vld [tilespmem:s0+$0x10]  }
0x13d: {  	v20 =	vld [tilespmem:s0+$0xFFFFFFD0]  }
0x13e: {  	v0 =	vmax.f32 v0, v10;
	v4 =	vadd.f32 v14, v4;
	v10 =	vld [tilespmem:s0+$0xFFFFFF90]  }
0x13f: {  	v0 =	vmax.f32 v0, v12;
	v21 =	vld [tilespmem:s0+$0xFFFFFF10]  }
0x140: {  	v0 =	vmax.f32 v0, v14;
	v12 =	vld [tilespmem:s0+$0xFFFFFF50];
	v4 =	vadd.f32 v17, v4  }
0x141: {  	v0 =	vmax.f32 v0, v17;
	v14 =	vld [tilespmem:s0+$0xFFFFFF20]  }
0x142: {  	s1 =	sadd.s32 $0x8, s1;
	v0 =	vmax.f32 v0, v15;
	v17 =	vld [tilespmem:s0+$0xFFFFFF30];
	v4 =	vadd.f32 v15, v4  }
0x143: {  	p0 =	slt.u32 s1, $0x50;
	v0 =	vmax.f32 v0, v9;
	v15 =	vld [tilespmem:s0+$0xFFFFFF60]  }
0x144: {  	v0 =	vmax.f32 v0, v16;
	v1 =	vmax.f32 v1, v21;
	v22 =	vld [tilespmem:s0+$0xFFFFFF70];
	v4 =	vadd.f32 v9, v4  }
0x145: {  	v0 =	vmax.f32 v0, v18;
	v1 =	vmax.f32 v1, v12;
	v9 =	vld [tilespmem:s0+$0xFFFFFFA0]  }
0x146: {  	v6 =	vadd.f32 v21, v6;
	v1 =	vmax.f32 v1, v10;
	v21 =	vld [tilespmem:s0+$0xFFFFFFB0];
	v4 =	vadd.f32 v16, v4  }
0x147: {  	v7 =	vadd.f32 v14, v7;
	v16 =	vadd.f32 v17, v5;
	v1 =	vmax.f32 v1, v20;
	v23 =	vld [tilespmem:s0+$0xFFFFFFE0]  }
0x148: {  	v6 =	vadd.f32 v12, v6;
	v5 =	vld [tilespmem:s0+$0xFFFFFFF0];
	v1 =	vmax.f32 v1, v19;
	v4 =	vadd.f32 v18, v4  }
0x149: {  	v7 =	vadd.f32 v15, v7;
	v12 =	vadd.f32 v22, v16;
	v16 =	vld [tilespmem:s0+$0x20];
	v1 =	vmax.f32 v1, v13  }
0x14a: {  	v8 =	vmax.f32 v8, v14;
	v14 =	vadd.f32 v10, v6;
	v6 =	vld [tilespmem:s0+$0x30];
	v1 =	vmax.f32 v1, v3  }
0x14b: {  	v8 =	vmax.f32 v8, v15;
	v15 =	vadd.f32 v9, v7;
	v12 =	vadd.f32 v21, v12;
	v10 =	vld [tilespmem:s0+$0x60]  }
.Ltmp3:
0x14c: {  	v8 =	vmax.f32 v8, v9;
	v14 =	vadd.f32 v20, v14;
	v1 =	vmax.f32 v1, v2;
	v7 =	vld [tilespmem:s0+$0x70];
	(pc) =	sbr.rel @p0 .LBB2_9-.Ltmp3, $4  }
0x14d: {  	v8 =	vmax.f32 v8, v23;
	v15 =	vadd.f32 v23, v15;
	v12 =	vadd.f32 v5, v12;
	v9 =	vld [tilespmem:s0+$0xA0]  }
0x14e: {  	v11 =	vmax.f32 v11, v17;
	v18 =	vadd.f32 v19, v14;
	v19 =	vmax.f32 v8, v16;
	v8 =	vld [tilespmem:s0+$0xB0]  }
0x14f: {  	v17 =	vmax.f32 v11, v22;
	v15 =	vadd.f32 v16, v15;
	v14 =	vadd.f32 v6, v12;
	v11 =	vld [tilespmem:s0+$0xE0]  }
0x150: {  	v17 =	vmax.f32 v17, v21;
	v16 =	vadd.f32 v13, v18;
	v13 =	vmax.f32 v19, v10;
	v12 =	vld [tilespmem:s0+$0xF0];
	s0 =	sadd.s32 $0x200, s0  }
0x151: {  	v10 =	vadd.f32 v10, v15;
	v5 =	vmax.f32 v17, v5  }
0x152: {  	v14 =	vadd.f32 v7, v14;
	v55 =	vmul.f32 $4.999999890e-03, v4;
	v3 =	vadd.f32 v3, v16  }
0x153: {  	[tilespmem:s30+$0x6610] =	vst v0;
	v56 =	vmax.f32 v5, v6;
	v59 =	vmax.f32 v13, v9;
	v10 =	vadd.f32 v9, v10  }
0x154: {  	[tilespmem:s30+$0x6620] =	vst v1;
	s29 =	sadd.s32 $0x1, s29;
	v57 =	vadd.f32 v8, v14;
	v4 =	vmax.f32 v56, v7;
	v2 =	vadd.f32 v2, v3  }
0x155: {  	p0 =	sne.s32 s29, $0x40;
	[tilespmem:s30+$0x6650] =	vst v55;
	v60 =	vmax.f32 v59, v11;
	v62 =	vmax.f32 v4, v8;
	v58 =	vadd.f32 v11, v10  }
.Ltmp4:
0x156: {  	v0 =	vadd.f32 v12, v57;
	[tilespmem:s30+$0x6630] =	vst v60;
	v63 =	vmax.f32 v62, v12;
	v2 =	vmul.f32 $4.999999890e-03, v2;
	(pc) =	sbr.rel @p0 .LBB2_2-.Ltmp4, $4  }
0x157: {  	[tilespmem:s30+$0x6640] =	vst v63;
	v61 =	vmul.f32 $4.999999890e-03, v58  }
0x158: {  	v0 =	vmul.f32 $4.999999890e-03, v0;
	[tilespmem:s30+$0x6660] =	vst v2  }
0x159: {  	[tilespmem:s30+$0x6670] =	vst v61  }
0x15a: {  	[tilespmem:s30+$0x6680] =	vst v0  }
0x15b: {  	s28 =	sadd.s32 $0x1, s28  }
0x15c: {  	p0 =	sne.s32 s28, s12  }
.Ltmp5:
0x15d: {  	_ = 	snop;
	(pc) =	sbr.rel @p0 .LBB2_1-.Ltmp5, $4  }
0x15e: {  	[hbm4b:s11+s2] =	stream.linear.scatter [tilespmem:s25], [sflag:$0x5], $0x4000, $0x38;
	[tilespmem:$0xA590] =	vst v63  }
0x15f: {  	_ =	swait.ge [sflag:s26], $0x4000  }
0x160: {  	[sflag:s26] =	ssyncset.done $0x0  }
0x161: {  	[sflag:s26] =	ssyncadd.s32 $0xFFFFC000  }
0x162: {  	_ =	sfence.sel $0x180000  }
0x163: {  	[bflag:$0x0] =	sbarrier.arrive $0xFFFF  }
0x164: {  	_ =	strace $0x90000047  }
0x165: {  	s0 =	stileid.u32;
	[bflag:$0x2] =	sbarrier.arrive $0xFFFF  }
0x166: {  	p0 =	sne.s32 s0, $0x0;
	s0 =	rddreg [dreg:$0x2]  }
0x167: {  	s0 =	sadd.s32 @!p0 $0x100000, s0  }
0x168: {  	[sflag:s0] =	ssyncadd.tile.s32 @!p0 $0x1;
	_ =	shalt  }
.Lfunc_end2:
_tile_overlayer_lowered:
.L_overlay_start_2:
0x169: {  	(tag) =	ssettag $0x2  }
0x16a: {  	s0 =	rddreg [dreg:$0x0];
	s2 =	stileid.u32  }
0x16b: {  	s1 =	rddreg [dreg:$0x1];
	p0 =	sne.s32 s2, $0x0  }
0x16c: {  	s3 =	rddreg [dreg:$0x2];
	[bflag:$0x3] =	sbarrier.arrive $0xFFFF;
	s2 =	simm.s32 @!p0 $0x1C05  }
0x16d: {  	[timem:s3], [sflag:s2] =	dma.local @!p0 [hbm:s0], s1  }
0x16e: {  	s0 =	simm.s32 @!p0 $0x5  }
0x16f: {  	_ =	swait.ge @!p0 [sflag:s0], s1  }
0x170: {  	s1 =	ssub.s32 @!p0 $0x0, s1;
	[sflag:s0] =	ssyncset.done @!p0 $0x0  }
0x171: {  	[sflag:s0] =	ssyncadd.s32 @!p0 s1  }
0x172: {  	[bflag:$0x3] =	sbarrier.arrive $0xFFFF  }
0x173: {  	_ =	shalt  }

</sc_bundles>
